<compile_context>
chip_gen: v7x
topology: tpu7x:2x2x1
jax: 0.10.2.dev20260603
libtpu: 0.0.44.dev20260713+nightly
codegen_flags: <defaults>
</compile_context>

<pallas_src>
import functools

import jax
import jax.numpy as jnp
from jax import lax
from jax.experimental import pallas as pl
from jax.experimental.pallas import tpu as pltpu
from jax.experimental.pallas import tpu_sc as plsc

K_TOP = 3
_INT_BIG = 2**31 - 1


def _mlp_body(t_ref, im_ref, w1_ref, b1_ref, w2_ref, b2_ref, w3_ref, b3_ref,
              out_ref):
    dt = t_ref.shape[1]
    h = (jnp.dot(t_ref[...], w1_ref[0:dt, :], preferred_element_type=jnp.float32)
         + jnp.dot(im_ref[...], w1_ref[dt:, :], preferred_element_type=jnp.float32)
         + b1_ref[...])
    h = jnp.maximum(h, 0.0)
    h = jnp.dot(h, w2_ref[...], preferred_element_type=jnp.float32) + b2_ref[...]
    h = jnp.maximum(h, 0.0)
    p = jnp.dot(h, w3_ref[...], preferred_element_type=jnp.float32) + b3_ref[...]
    nrm = jnp.sqrt(jnp.sum(p * p, axis=1, keepdims=True))
    out_ref[...] = p / (nrm + 1e-12)


def _project(text_emb, image_emb, W1, b1, W2, b2, W3, b3):
    B = text_emb.shape[0]
    dout = W3.shape[1]
    return pl.pallas_call(
        _mlp_body,
        out_shape=jax.ShapeDtypeStruct((B, dout), jnp.float32),
    )(text_emb, image_emb, W1, b1.reshape(1, -1), W2, b2.reshape(1, -1),
      W3, b3.reshape(1, -1))


def _topk_body(nkeys, tile, nt, proj_ref, keys_ref, keys_ref2,
               v0, v1, v2, j0, j1, j2):
    pid = pl.program_id(0)
    B = proj_ref.shape[0]

    @pl.when(pid == 0)
    def _init():
        neg = jnp.full((B, 128), -jnp.inf, jnp.float32)
        v0[...] = neg
        v1[...] = neg
        v2[...] = neg
        zero = jnp.zeros((B, 128), jnp.int32)
        j0[...] = zero
        j1[...] = zero
        j2[...] = zero

    half = tile // 2

    a0, a1, a2 = v0[...], v1[...], v2[...]
    b0, b1, b2 = j0[...], j1[...], j2[...]
    nchunk = tile // 128
    nsplit = max(1, half // 1024)
    sc = half // 128 // nsplit
    nodes = []
    for hf, kref in enumerate((keys_ref, keys_ref2)):
        keys_t = kref[...]
        ss = jnp.sum(keys_t * keys_t, axis=1, keepdims=True)
        inv_ok = 1.0 / (jnp.sqrt(ss) + 1e-12)
        row_id = (lax.broadcasted_iota(jnp.int32, (half, 1), 0)
                  + pid * tile + hf * half)
        ks = jnp.where(row_id < nkeys, keys_t * inv_ok, 0.0)
        cbase = pid * nchunk + hf * (half // 128)
        for s in range(nsplit):
            sim = lax.dot_general(
                proj_ref[...], ks[s * (half // nsplit):(s + 1) * (half // nsplit)],
                (((1,), (1,)), ((), ())),
                preferred_element_type=jnp.float32)
            for c in range(0, sc, 2):
                xa = sim[:, c * 128:(c + 1) * 128]
                xb = sim[:, (c + 1) * 128:(c + 2) * 128]
                ca = jnp.full((B, 128), cbase + s * sc + c, jnp.int32)
                cb = jnp.full((B, 128), cbase + s * sc + c + 1, jnp.int32)
                w = xa >= xb
                nodes.append((jnp.where(w, xa, xb), jnp.where(w, xb, xa),
                              jnp.where(w, ca, cb), jnp.where(w, cb, ca)))
    while len(nodes) > 1:
        nxt = []
        if len(nodes) % 2:
            leftover = nodes.pop()
        else:
            leftover = None
        for i in range(0, len(nodes), 2):
            (ah, al, iah, ial), (bh, bl, ibh, ibl) = nodes[i], nodes[i + 1]
            w = ah >= bh
            hi = jnp.where(w, ah, bh)
            ih = jnp.where(w, iah, ibh)
            loser = jnp.where(w, bh, ah)
            il = jnp.where(w, ibh, iah)
            sec = jnp.where(w, al, bl)
            isec = jnp.where(w, ial, ibl)
            w2 = loser > sec
            nxt.append((hi, jnp.where(w2, loser, sec), ih,
                        jnp.where(w2, il, isec)))
        if leftover is not None:
            nxt.append(leftover)
        nodes = nxt
    th, tl, ith, itl = nodes[0]
    c0 = th > a0
    cv = jnp.where(c0, a0, th)
    ci = jnp.where(c0, b0, ith)
    a0 = jnp.where(c0, th, a0)
    b0 = jnp.where(c0, ith, b0)
    c1 = cv > a1
    cv2 = jnp.where(c1, a1, cv)
    ci2 = jnp.where(c1, b1, ci)
    a1 = jnp.where(c1, cv, a1)
    b1 = jnp.where(c1, ci, b1)
    c2 = cv2 > a2
    a2 = jnp.where(c2, cv2, a2)
    b2 = jnp.where(c2, ci2, b2)
    d1 = tl > a1
    dv = jnp.where(d1, a1, tl)
    di = jnp.where(d1, b1, itl)
    a1 = jnp.where(d1, tl, a1)
    b1 = jnp.where(d1, itl, b1)
    d2 = dv > a2
    a2 = jnp.where(d2, dv, a2)
    b2 = jnp.where(d2, di, b2)
    v0[...], v1[...], v2[...] = a0, a1, a2
    j0[...], j1[...], j2[...] = b0, b1, b2


def _topk(proj, keys, tile=5120):
    B, dk = proj.shape
    nkeys = keys.shape[0]
    nt = pl.cdiv(nkeys, tile)
    body = functools.partial(_topk_body, nkeys, tile, nt)
    return pl.pallas_call(
        body,
        grid=(nt,),
        in_specs=[
            pl.BlockSpec((B, dk), lambda i: (0, 0)),
            pl.BlockSpec((tile // 2, dk), lambda i: (2 * i, 0)),
            pl.BlockSpec((tile // 2, dk), lambda i: (2 * i + 1, 0)),
        ],
        out_specs=[pl.BlockSpec((B, 128), lambda i: (0, 0))] * 6,
        out_shape=[jax.ShapeDtypeStruct((B, 128), jnp.float32)] * 3
        + [jax.ShapeDtypeStruct((B, 128), jnp.int32)] * 3,
    )(proj, keys, keys)


def _finalize_body(a0r, a1r, a2r, b0r, b1r, b2r, d_ref, i_ref):
    B = a0r.shape[0]
    vs = jnp.concatenate([a0r[...], a1r[...], a2r[...]], axis=1)
    lane = lax.broadcasted_iota(jnp.int32, (B, 3 * 128), 1) % 128
    gix = jnp.concatenate([b0r[...], b1r[...], b2r[...]], axis=1) * 128 + lane
    outs_v, outs_i = [], []
    v, ix = vs, gix
    for r in range(K_TOP):
        m = jnp.max(v, axis=1, keepdims=True)
        jx = jnp.min(jnp.where(v == m, ix, _INT_BIG), axis=1, keepdims=True)
        if r < K_TOP - 1:
            v = jnp.where(ix == jx, -jnp.inf, v)
        outs_v.append(m)
        outs_i.append(jx)
    d_ref[...] = jnp.concatenate(outs_v, axis=1)
    i_ref[...] = jnp.concatenate(outs_i, axis=1)


def _finalize(state):
    B = state[0].shape[0]
    return pl.pallas_call(
        _finalize_body,
        out_shape=[
            jax.ShapeDtypeStruct((B, K_TOP), jnp.float32),
            jax.ShapeDtypeStruct((B, K_TOP), jnp.int32),
        ],
    )(*state)


def _sc_gather(keys, idx_flat):
    nkeys, dk = keys.shape
    nb = idx_flat.shape[0]
    info = plsc.get_sparse_core_info()
    nw = info.num_cores * info.num_subcores
    b_per_w = nb // nw
    nchunk = dk // info.num_lanes
    L = info.num_lanes
    mesh = plsc.VectorSubcoreMesh(core_axis_name="c", subcore_axis_name="s")

    @functools.partial(
        pl.kernel,
        mesh=mesh,
        out_type=jax.ShapeDtypeStruct((nb, dk), jnp.float32),
        scratch_types=[
            pltpu.VMEM((b_per_w,), jnp.int32),
            pltpu.VMEM((b_per_w, dk), jnp.float32),
            pltpu.SemaphoreType.DMA,
        ],
        compiler_params=pltpu.CompilerParams(needs_layout_passes=False),
    )
    def gather_kernel(keys_hbm, idx_hbm, out_hbm, idx_v, rows_v, sem):
        wid = lax.axis_index("s") * info.num_cores + lax.axis_index("c")
        base = wid * b_per_w
        pltpu.sync_copy(idx_hbm.at[pl.ds(base, b_per_w)], idx_v)
        pltpu.async_copy(keys_hbm.at[idx_v], rows_v, sem).wait()

        def row_body(r, carry):
            ssv = jnp.zeros((L,), jnp.float32)
            for c in range(nchunk):
                x = rows_v[r, pl.ds(c * L, L)]
                ssv = ssv + x * x
            tot = plsc.cummax(lax.rev(plsc.cumsum(ssv), (0,)))
            ib = lax.bitcast_convert_type(tot, jnp.int32)
            ib = 0x5F3759DF - lax.shift_right_arithmetic(ib, 1)
            y = lax.bitcast_convert_type(ib, jnp.float32)
            for _ in range(3):
                y = y * (1.5 - 0.5 * tot * y * y)
            for c in range(nchunk):
                rows_v[r, pl.ds(c * L, L)] = rows_v[r, pl.ds(c * L, L)] * y
            return carry

        lax.fori_loop(0, b_per_w, row_body, 0)
        pltpu.sync_copy(rows_v, out_hbm.at[pl.ds(base, b_per_w)])

    return gather_kernel(keys, idx_flat)


def kernel(text_emb, image_emb, keys, W1, b1, W2, b2, W3, b3):
    B = text_emb.shape[0]
    dk = keys.shape[1]
    proj = _project(text_emb, image_emb, W1, b1, W2, b2, W3, b3)
    state = _topk(proj, keys)
    D, I = _finalize(state)
    flat = _sc_gather(keys, I.reshape(-1))
    return flat.reshape(B, K_TOP, dk), D

# --- scband reference (transcript-rebuilt; emitter-appended) ---
"""Pipeline reference for scband-retriever-7602092114203 (READ-ONLY COPY).

The authoritative reference and input builder live on the scoring server;
editing this copy changes nothing except your own understanding.
"""

import jax, jax.numpy as jnp
import numpy as np

K_TOPK = 3

def setup_inputs(seed: int = 0) -> dict:
    key = jax.random.key(seed)
    ks = jax.random.split(key, 9)
    B = 1024
    NKEYS = 100000
    inp = {
        "text_emb": jax.random.normal(ks[0], (B, 768), dtype=jnp.float32),
        "image_emb": jax.random.normal(ks[1], (B, 768), dtype=jnp.float32),
        "keys": jax.random.normal(ks[2], (NKEYS, 384), dtype=jnp.float32),
        "W1": jax.random.normal(ks[3], (1536, 1024), dtype=jnp.float32) * 0.02,
        "b1": jnp.zeros((1024,), dtype=jnp.float32),
        "W2": jax.random.normal(ks[4], (1024, 512), dtype=jnp.float32) * 0.02,
        "b2": jnp.zeros((512,), dtype=jnp.float32),
        "W3": jax.random.normal(ks[5], (512, 384), dtype=jnp.float32) * 0.02,
        "b3": jnp.zeros((384,), dtype=jnp.float32),
    }
    return inp

def reference(text_emb, image_emb, keys, W1, b1, W2, b2, W3, b3):
    # joint embedding = concat(text, image) along feature dim
    joint = jnp.concatenate([text_emb, image_emb], axis=-1)  # [B, 1536]
    # projection MLP: 1536 -> 1024 -> 512 -> 384 with ReLU
    h = jax.nn.relu(joint @ W1 + b1)
    h = jax.nn.relu(h @ W2 + b2)
    proj = h @ W3 + b3  # [B, 384]
    # L2 normalize (F.normalize p=2, dim=1)
    proj = proj / (jnp.linalg.norm(proj, axis=1, keepdims=True) + 1e-12)
    # faiss index search: cosine / inner-product over normalized key vectors
    keys_n = keys / (jnp.linalg.norm(keys, axis=1, keepdims=True) + 1e-12)
    sim = proj @ keys_n.T  # [B, NKEYS]
    D, I = jax.lax.top_k(sim, K_TOPK)  # distances/scores and indices [B, k]
    # stand-in for embedder.encode over retrieved contents: gather key vectors
    retrieved_vecs = jnp.take(keys_n, I, axis=0)  # [B, k, 384]
    return retrieved_vecs, D

if __name__ == "__main__":
    import jax
    _d = setup_inputs()
    print(jax.jit(kernel)(*tuple(_d.values())))

</pallas_src>

<mosaic_0001>
#map = affine_map<(d0, d1) -> (0, 0)>
#map1 = affine_map<(d0, d1) -> (0)>
module attributes {stable_mosaic.version = 14 : i64} {
  func.func @gather_kernel(%arg0: i32, %arg1: i32, %arg2: memref<100000x384xf32, #tpu.memory_space<hbm>>, %arg3: memref<3072xi32, #tpu.memory_space<hbm>>, %arg4: memref<3072x384xf32, #tpu.memory_space<hbm>>, %arg5: memref<96xi32, #tpu.memory_space<vmem>>, %arg6: memref<96x384xf32, #tpu.memory_space<vmem>>, %arg7: memref<!tpu.dma_semaphore, #tpu.memory_space<semaphore_mem>>) attributes {dimension_semantics = [#tpu.dimension_semantics<core_parallel>, #tpu.dimension_semantics<subcore_parallel>], iteration_bounds = array<i64: 2, 16>, scalar_prefetch = 0 : i64, scratch_operands = 3 : i64, tpu.core_type = #tpu.core_type<sc_vector_subcore>, window_params = [{transform_indices = #map}, {transform_indices = #map1}, {transform_indices = #map}]} {
    %mul3A = arith.constant 2 : i32
    %mul3A_0 = arith.muli %arg1, %mul3A : i32
    %add3A = arith.addi %mul3A_0, %arg0 : i32
    %mul3A_1 = arith.constant 96 : i32
    %mul3A_2 = arith.muli %add3A, %mul3A_1 : i32
    "tpu.region"() ({
      %run_scoped3A = tpu.sem_alloc : memref<!tpu.dma_semaphore, #tpu.memory_space<semaphore_mem>>
      %dma_start3A_12 = tpu.memref_slice %arg3[%mul3A_2] : memref<3072xi32, #tpu.memory_space<hbm>> -> memref<96xi32, #tpu.memory_space<hbm>>
      %dma_start3A_13 = tpu.memref_slice %arg3[%mul3A_2] : memref<3072xi32, #tpu.memory_space<hbm>> -> memref<96xi32, #tpu.memory_space<hbm>>
      tpu.enqueue_dma source(%dma_start3A_13 : memref<96xi32, #tpu.memory_space<hbm>>) target(%arg5 : memref<96xi32, #tpu.memory_space<vmem>>) target_semaphore(%run_scoped3A : memref<!tpu.dma_semaphore, #tpu.memory_space<semaphore_mem>>)
      %dma_wait3A_14 = tpu.memref_slice %arg3[%mul3A_2] : memref<3072xi32, #tpu.memory_space<hbm>> -> memref<96xi32, #tpu.memory_space<hbm>>
      %dma_wait3A_15 = tpu.memref_slice %arg3[%mul3A_2] : memref<3072xi32, #tpu.memory_space<hbm>> -> memref<96xi32, #tpu.memory_space<hbm>>
      tpu.wait_dma2 semaphore(%run_scoped3A : memref<!tpu.dma_semaphore, #tpu.memory_space<semaphore_mem>>) src(%dma_wait3A_15 : memref<96xi32, #tpu.memory_space<hbm>>) dst(%arg5 : memref<96xi32, #tpu.memory_space<vmem>>)
      tpu.yield
    }) : () -> ()
    %dma_start3A = arith.constant 0 : i32
    %dma_start3A_3 = arith.constant 0 : i32
    %dma_start3A_4 = tpu.memref_slice %arg2[%dma_start3A, %dma_start3A_3] : memref<100000x384xf32, #tpu.memory_space<hbm>> -> memref<100000x384xf32, #tpu.memory_space<hbm>>
    tpu.enqueue_indirect_dma source(%dma_start3A_4 : memref<100000x384xf32, #tpu.memory_space<hbm>>) target(%arg6 : memref<96x384xf32, #tpu.memory_space<vmem>>) offsets(%arg5 : memref<96xi32, #tpu.memory_space<vmem>>) semaphore(%arg7 : memref<!tpu.dma_semaphore, #tpu.memory_space<semaphore_mem>>)
    %dma_wait3A = arith.constant 0 : i32
    %dma_wait3A_5 = arith.constant 0 : i32
    %dma_wait3A_6 = tpu.memref_slice %arg2[%dma_wait3A, %dma_wait3A_5] : memref<100000x384xf32, #tpu.memory_space<hbm>> -> memref<100000x384xf32, #tpu.memory_space<hbm>>
    tpu.wait_indirect_dma semaphore(%arg7 : memref<!tpu.dma_semaphore, #tpu.memory_space<semaphore_mem>>) src(%dma_wait3A_6 : memref<100000x384xf32, #tpu.memory_space<hbm>>) dst(%arg6 : memref<96x384xf32, #tpu.memory_space<vmem>>)
    %scan3A = arith.constant 0 : i32
    %scan3A_7 = arith.constant 0 : i32
    %scan3A_8 = arith.constant 96 : i32
    %scan3A_9 = arith.addi %scan3A_7, %scan3A_8 : i32
    %scan3A_10 = arith.constant 1 : i32
    scf.for %scan3A_12 = %scan3A_7 to %scan3A_9 step %scan3A_10  : i32 {
      %broadcast_in_dim3A = arith.constant 0.000000e+00 : f32
      %broadcast_in_dim3A_13 = vector.broadcast %broadcast_in_dim3A : f32 to vector<16xf32>
      %get3A = arith.index_cast %scan3A_12 : i32 to index
      %get3A_14 = arith.constant 0 : index
      %get3A_15 = tpu.vector_load %arg6[%get3A, %get3A_14] {strides = array<i32>} : memref<96x384xf32, #tpu.memory_space<vmem>>, vector<16xf32>,
      %mul3A_16 = arith.mulf %get3A_15, %get3A_15 : vector<16xf32>
      %add3A_17 = arith.addf %broadcast_in_dim3A_13, %mul3A_16 : vector<16xf32>
      %get3A_18 = arith.index_cast %scan3A_12 : i32 to index
      %get3A_19 = arith.constant 16 : index
      %get3A_20 = tpu.vector_load %arg6[%get3A_18, %get3A_19] {strides = array<i32>} : memref<96x384xf32, #tpu.memory_space<vmem>>, vector<16xf32>,
      %mul3A_21 = arith.mulf %get3A_20, %get3A_20 : vector<16xf32>
      %add3A_22 = arith.addf %add3A_17, %mul3A_21 : vector<16xf32>
      %get3A_23 = arith.index_cast %scan3A_12 : i32 to index
      %get3A_24 = arith.constant 32 : index
      %get3A_25 = tpu.vector_load %arg6[%get3A_23, %get3A_24] {strides = array<i32>} : memref<96x384xf32, #tpu.memory_space<vmem>>, vector<16xf32>,
      %mul3A_26 = arith.mulf %get3A_25, %get3A_25 : vector<16xf32>
      %add3A_27 = arith.addf %add3A_22, %mul3A_26 : vector<16xf32>
      %get3A_28 = arith.index_cast %scan3A_12 : i32 to index
      %get3A_29 = arith.constant 48 : index
      %get3A_30 = tpu.vector_load %arg6[%get3A_28, %get3A_29] {strides = array<i32>} : memref<96x384xf32, #tpu.memory_space<vmem>>, vector<16xf32>,
      %mul3A_31 = arith.mulf %get3A_30, %get3A_30 : vector<16xf32>
      %add3A_32 = arith.addf %add3A_27, %mul3A_31 : vector<16xf32>
      %get3A_33 = arith.index_cast %scan3A_12 : i32 to index
      %get3A_34 = arith.constant 64 : index
      %get3A_35 = tpu.vector_load %arg6[%get3A_33, %get3A_34] {strides = array<i32>} : memref<96x384xf32, #tpu.memory_space<vmem>>, vector<16xf32>,
      %mul3A_36 = arith.mulf %get3A_35, %get3A_35 : vector<16xf32>
      %add3A_37 = arith.addf %add3A_32, %mul3A_36 : vector<16xf32>
      %get3A_38 = arith.index_cast %scan3A_12 : i32 to index
      %get3A_39 = arith.constant 80 : index
      %get3A_40 = tpu.vector_load %arg6[%get3A_38, %get3A_39] {strides = array<i32>} : memref<96x384xf32, #tpu.memory_space<vmem>>, vector<16xf32>,
      %mul3A_41 = arith.mulf %get3A_40, %get3A_40 : vector<16xf32>
      %add3A_42 = arith.addf %add3A_37, %mul3A_41 : vector<16xf32>
      %get3A_43 = arith.index_cast %scan3A_12 : i32 to index
      %get3A_44 = arith.constant 96 : index
      %get3A_45 = tpu.vector_load %arg6[%get3A_43, %get3A_44] {strides = array<i32>} : memref<96x384xf32, #tpu.memory_space<vmem>>, vector<16xf32>,
      %mul3A_46 = arith.mulf %get3A_45, %get3A_45 : vector<16xf32>
      %add3A_47 = arith.addf %add3A_42, %mul3A_46 : vector<16xf32>
      %get3A_48 = arith.index_cast %scan3A_12 : i32 to index
      %get3A_49 = arith.constant 112 : index
      %get3A_50 = tpu.vector_load %arg6[%get3A_48, %get3A_49] {strides = array<i32>} : memref<96x384xf32, #tpu.memory_space<vmem>>, vector<16xf32>,
      %mul3A_51 = arith.mulf %get3A_50, %get3A_50 : vector<16xf32>
      %add3A_52 = arith.addf %add3A_47, %mul3A_51 : vector<16xf32>
      %get3A_53 = arith.index_cast %scan3A_12 : i32 to index
      %get3A_54 = arith.constant 128 : index
      %get3A_55 = tpu.vector_load %arg6[%get3A_53, %get3A_54] {strides = array<i32>} : memref<96x384xf32, #tpu.memory_space<vmem>>, vector<16xf32>,
      %mul3A_56 = arith.mulf %get3A_55, %get3A_55 : vector<16xf32>
      %add3A_57 = arith.addf %add3A_52, %mul3A_56 : vector<16xf32>
      %get3A_58 = arith.index_cast %scan3A_12 : i32 to index
      %get3A_59 = arith.constant 144 : index
      %get3A_60 = tpu.vector_load %arg6[%get3A_58, %get3A_59] {strides = array<i32>} : memref<96x384xf32, #tpu.memory_space<vmem>>, vector<16xf32>,
      %mul3A_61 = arith.mulf %get3A_60, %get3A_60 : vector<16xf32>
      %add3A_62 = arith.addf %add3A_57, %mul3A_61 : vector<16xf32>
      %get3A_63 = arith.index_cast %scan3A_12 : i32 to index
      %get3A_64 = arith.constant 160 : index
      %get3A_65 = tpu.vector_load %arg6[%get3A_63, %get3A_64] {strides = array<i32>} : memref<96x384xf32, #tpu.memory_space<vmem>>, vector<16xf32>,
      %mul3A_66 = arith.mulf %get3A_65, %get3A_65 : vector<16xf32>
      %add3A_67 = arith.addf %add3A_62, %mul3A_66 : vector<16xf32>
      %get3A_68 = arith.index_cast %scan3A_12 : i32 to index
      %get3A_69 = arith.constant 176 : index
      %get3A_70 = tpu.vector_load %arg6[%get3A_68, %get3A_69] {strides = array<i32>} : memref<96x384xf32, #tpu.memory_space<vmem>>, vector<16xf32>,
      %mul3A_71 = arith.mulf %get3A_70, %get3A_70 : vector<16xf32>
      %add3A_72 = arith.addf %add3A_67, %mul3A_71 : vector<16xf32>
      %get3A_73 = arith.index_cast %scan3A_12 : i32 to index
      %get3A_74 = arith.constant 192 : index
      %get3A_75 = tpu.vector_load %arg6[%get3A_73, %get3A_74] {strides = array<i32>} : memref<96x384xf32, #tpu.memory_space<vmem>>, vector<16xf32>,
      %mul3A_76 = arith.mulf %get3A_75, %get3A_75 : vector<16xf32>
      %add3A_77 = arith.addf %add3A_72, %mul3A_76 : vector<16xf32>
      %get3A_78 = arith.index_cast %scan3A_12 : i32 to index
      %get3A_79 = arith.constant 208 : index
      %get3A_80 = tpu.vector_load %arg6[%get3A_78, %get3A_79] {strides = array<i32>} : memref<96x384xf32, #tpu.memory_space<vmem>>, vector<16xf32>,
      %mul3A_81 = arith.mulf %get3A_80, %get3A_80 : vector<16xf32>
      %add3A_82 = arith.addf %add3A_77, %mul3A_81 : vector<16xf32>
      %get3A_83 = arith.index_cast %scan3A_12 : i32 to index
      %get3A_84 = arith.constant 224 : index
      %get3A_85 = tpu.vector_load %arg6[%get3A_83, %get3A_84] {strides = array<i32>} : memref<96x384xf32, #tpu.memory_space<vmem>>, vector<16xf32>,
      %mul3A_86 = arith.mulf %get3A_85, %get3A_85 : vector<16xf32>
      %add3A_87 = arith.addf %add3A_82, %mul3A_86 : vector<16xf32>
      %get3A_88 = arith.index_cast %scan3A_12 : i32 to index
      %get3A_89 = arith.constant 240 : index
      %get3A_90 = tpu.vector_load %arg6[%get3A_88, %get3A_89] {strides = array<i32>} : memref<96x384xf32, #tpu.memory_space<vmem>>, vector<16xf32>,
      %mul3A_91 = arith.mulf %get3A_90, %get3A_90 : vector<16xf32>
      %add3A_92 = arith.addf %add3A_87, %mul3A_91 : vector<16xf32>
      %get3A_93 = arith.index_cast %scan3A_12 : i32 to index
      %get3A_94 = arith.constant 256 : index
      %get3A_95 = tpu.vector_load %arg6[%get3A_93, %get3A_94] {strides = array<i32>} : memref<96x384xf32, #tpu.memory_space<vmem>>, vector<16xf32>,
      %mul3A_96 = arith.mulf %get3A_95, %get3A_95 : vector<16xf32>
      %add3A_97 = arith.addf %add3A_92, %mul3A_96 : vector<16xf32>
      %get3A_98 = arith.index_cast %scan3A_12 : i32 to index
      %get3A_99 = arith.constant 272 : index
      %get3A_100 = tpu.vector_load %arg6[%get3A_98, %get3A_99] {strides = array<i32>} : memref<96x384xf32, #tpu.memory_space<vmem>>, vector<16xf32>,
      %mul3A_101 = arith.mulf %get3A_100, %get3A_100 : vector<16xf32>
      %add3A_102 = arith.addf %add3A_97, %mul3A_101 : vector<16xf32>
      %get3A_103 = arith.index_cast %scan3A_12 : i32 to index
      %get3A_104 = arith.constant 288 : index
      %get3A_105 = tpu.vector_load %arg6[%get3A_103, %get3A_104] {strides = array<i32>} : memref<96x384xf32, #tpu.memory_space<vmem>>, vector<16xf32>,
      %mul3A_106 = arith.mulf %get3A_105, %get3A_105 : vector<16xf32>
      %add3A_107 = arith.addf %add3A_102, %mul3A_106 : vector<16xf32>
      %get3A_108 = arith.index_cast %scan3A_12 : i32 to index
      %get3A_109 = arith.constant 304 : index
      %get3A_110 = tpu.vector_load %arg6[%get3A_108, %get3A_109] {strides = array<i32>} : memref<96x384xf32, #tpu.memory_space<vmem>>, vector<16xf32>,
      %mul3A_111 = arith.mulf %get3A_110, %get3A_110 : vector<16xf32>
      %add3A_112 = arith.addf %add3A_107, %mul3A_111 : vector<16xf32>
      %get3A_113 = arith.index_cast %scan3A_12 : i32 to index
      %get3A_114 = arith.constant 320 : index
      %get3A_115 = tpu.vector_load %arg6[%get3A_113, %get3A_114] {strides = array<i32>} : memref<96x384xf32, #tpu.memory_space<vmem>>, vector<16xf32>,
      %mul3A_116 = arith.mulf %get3A_115, %get3A_115 : vector<16xf32>
      %add3A_117 = arith.addf %add3A_112, %mul3A_116 : vector<16xf32>
      %get3A_118 = arith.index_cast %scan3A_12 : i32 to index
      %get3A_119 = arith.constant 336 : index
      %get3A_120 = tpu.vector_load %arg6[%get3A_118, %get3A_119] {strides = array<i32>} : memref<96x384xf32, #tpu.memory_space<vmem>>, vector<16xf32>,
      %mul3A_121 = arith.mulf %get3A_120, %get3A_120 : vector<16xf32>
      %add3A_122 = arith.addf %add3A_117, %mul3A_121 : vector<16xf32>
      %get3A_123 = arith.index_cast %scan3A_12 : i32 to index
      %get3A_124 = arith.constant 352 : index
      %get3A_125 = tpu.vector_load %arg6[%get3A_123, %get3A_124] {strides = array<i32>} : memref<96x384xf32, #tpu.memory_space<vmem>>, vector<16xf32>,
      %mul3A_126 = arith.mulf %get3A_125, %get3A_125 : vector<16xf32>
      %add3A_127 = arith.addf %add3A_122, %mul3A_126 : vector<16xf32>
      %get3A_128 = arith.index_cast %scan3A_12 : i32 to index
      %get3A_129 = arith.constant 368 : index
      %get3A_130 = tpu.vector_load %arg6[%get3A_128, %get3A_129] {strides = array<i32>} : memref<96x384xf32, #tpu.memory_space<vmem>>, vector<16xf32>,
      %mul3A_131 = arith.mulf %get3A_130, %get3A_130 : vector<16xf32>
      %add3A_132 = arith.addf %add3A_127, %mul3A_131 : vector<16xf32>
      %broadcast_in_dim3A_133 = arith.constant true
      %broadcast_in_dim3A_134 = vector.broadcast %broadcast_in_dim3A_133 : i1 to vector<16xi1>
      %masked_cumsum3A = tpu.scan <sum>, %add3A_132 masked %broadcast_in_dim3A_134 : vector<16xf32>, vector<16xi1> -> vector<16xf32>
      %rev3A = arith.constant 15 : i32
      %rev3A_135 = vector.broadcast %rev3A : i32 to vector<16xi32>
      %rev3A_136 = tpu.iota {dimensions = array<i32: 0>} : vector<16xi32>
      %rev3A_137 = arith.subi %rev3A_135, %rev3A_136 : vector<16xi32>
      %rev3A_138 = tpu.dynamic_gather %masked_cumsum3A[%rev3A_137] in [0] : vector<16xf32>, vector<16xi32> -> vector<16xf32>
      %broadcast_in_dim3A_139 = arith.constant true
      %broadcast_in_dim3A_140 = vector.broadcast %broadcast_in_dim3A_139 : i1 to vector<16xi1>
      %masked_cummax3A = tpu.scan <max>, %rev3A_138 masked %broadcast_in_dim3A_140 : vector<16xf32>, vector<16xi1> -> vector<16xf32>
      %bitcast_convert_type3A = tpu.bitcast %masked_cummax3A : vector<16xf32> -> vector<16xi32>
      %shift_right_arithmetic3A = arith.constant 1 : i32
      %shift_right_arithmetic3A_141 = vector.broadcast %shift_right_arithmetic3A : i32 to vector<16xi32>
      %shift_right_arithmetic3A_142 = arith.shrsi %bitcast_convert_type3A, %shift_right_arithmetic3A_141 : vector<16xi32>
      %sub3A = arith.constant 1597463007 : i32
      %sub3A_143 = vector.broadcast %sub3A : i32 to vector<16xi32>
      %sub3A_144 = arith.subi %sub3A_143, %shift_right_arithmetic3A_142 : vector<16xi32>
      %bitcast_convert_type3A_145 = tpu.bitcast %sub3A_144 : vector<16xi32> -> vector<16xf32>
      %mul3A_146 = arith.constant 5.000000e-01 : f32
      %mul3A_147 = vector.broadcast %mul3A_146 : f32 to vector<16xf32>
      %mul3A_148 = arith.mulf %mul3A_147, %masked_cummax3A : vector<16xf32>
      %mul3A_149 = arith.mulf %mul3A_148, %bitcast_convert_type3A_145 : vector<16xf32>
      %mul3A_150 = arith.mulf %mul3A_149, %bitcast_convert_type3A_145 : vector<16xf32>
      %sub3A_151 = arith.constant 1.500000e+00 : f32
      %sub3A_152 = vector.broadcast %sub3A_151 : f32 to vector<16xf32>
      %sub3A_153 = arith.subf %sub3A_152, %mul3A_150 : vector<16xf32>
      %mul3A_154 = arith.mulf %bitcast_convert_type3A_145, %sub3A_153 : vector<16xf32>
      %mul3A_155 = arith.constant 5.000000e-01 : f32
      %mul3A_156 = vector.broadcast %mul3A_155 : f32 to vector<16xf32>
      %mul3A_157 = arith.mulf %mul3A_156, %masked_cummax3A : vector<16xf32>
      %mul3A_158 = arith.mulf %mul3A_157, %mul3A_154 : vector<16xf32>
      %mul3A_159 = arith.mulf %mul3A_158, %mul3A_154 : vector<16xf32>
      %sub3A_160 = arith.constant 1.500000e+00 : f32
      %sub3A_161 = vector.broadcast %sub3A_160 : f32 to vector<16xf32>
      %sub3A_162 = arith.subf %sub3A_161, %mul3A_159 : vector<16xf32>
      %mul3A_163 = arith.mulf %mul3A_154, %sub3A_162 : vector<16xf32>
      %mul3A_164 = arith.constant 5.000000e-01 : f32
      %mul3A_165 = vector.broadcast %mul3A_164 : f32 to vector<16xf32>
      %mul3A_166 = arith.mulf %mul3A_165, %masked_cummax3A : vector<16xf32>
      %mul3A_167 = arith.mulf %mul3A_166, %mul3A_163 : vector<16xf32>
      %mul3A_168 = arith.mulf %mul3A_167, %mul3A_163 : vector<16xf32>
      %sub3A_169 = arith.constant 1.500000e+00 : f32
      %sub3A_170 = vector.broadcast %sub3A_169 : f32 to vector<16xf32>
      %sub3A_171 = arith.subf %sub3A_170, %mul3A_168 : vector<16xf32>
      %mul3A_172 = arith.mulf %mul3A_163, %sub3A_171 : vector<16xf32>
      %get3A_173 = arith.index_cast %scan3A_12 : i32 to index
      %get3A_174 = arith.constant 0 : index
      %get3A_175 = tpu.vector_load %arg6[%get3A_173, %get3A_174] {strides = array<i32>} : memref<96x384xf32, #tpu.memory_space<vmem>>, vector<16xf32>,
      %mul3A_176 = arith.mulf %get3A_175, %mul3A_172 : vector<16xf32>
      %swap3A = arith.index_cast %scan3A_12 : i32 to index
      %swap3A_177 = arith.constant 0 : index
      %swap3A_178 = tpu.vector_load %arg6[%swap3A, %swap3A_177] {strides = array<i32>} : memref<96x384xf32, #tpu.memory_space<vmem>>, vector<16xf32>,
      tpu.vector_store %arg6[%swap3A, %swap3A_177], %mul3A_176 {strides = array<i32>} : memref<96x384xf32, #tpu.memory_space<vmem>>, vector<16xf32>,
      %get3A_179 = arith.index_cast %scan3A_12 : i32 to index
      %get3A_180 = arith.constant 16 : index
      %get3A_181 = tpu.vector_load %arg6[%get3A_179, %get3A_180] {strides = array<i32>} : memref<96x384xf32, #tpu.memory_space<vmem>>, vector<16xf32>,
      %mul3A_182 = arith.mulf %get3A_181, %mul3A_172 : vector<16xf32>
      %swap3A_183 = arith.index_cast %scan3A_12 : i32 to index
      %swap3A_184 = arith.constant 16 : index
      %swap3A_185 = tpu.vector_load %arg6[%swap3A_183, %swap3A_184] {strides = array<i32>} : memref<96x384xf32, #tpu.memory_space<vmem>>, vector<16xf32>,
      tpu.vector_store %arg6[%swap3A_183, %swap3A_184], %mul3A_182 {strides = array<i32>} : memref<96x384xf32, #tpu.memory_space<vmem>>, vector<16xf32>,
      %get3A_186 = arith.index_cast %scan3A_12 : i32 to index
      %get3A_187 = arith.constant 32 : index
      %get3A_188 = tpu.vector_load %arg6[%get3A_186, %get3A_187] {strides = array<i32>} : memref<96x384xf32, #tpu.memory_space<vmem>>, vector<16xf32>,
      %mul3A_189 = arith.mulf %get3A_188, %mul3A_172 : vector<16xf32>
      %swap3A_190 = arith.index_cast %scan3A_12 : i32 to index
      %swap3A_191 = arith.constant 32 : index
      %swap3A_192 = tpu.vector_load %arg6[%swap3A_190, %swap3A_191] {strides = array<i32>} : memref<96x384xf32, #tpu.memory_space<vmem>>, vector<16xf32>,
      tpu.vector_store %arg6[%swap3A_190, %swap3A_191], %mul3A_189 {strides = array<i32>} : memref<96x384xf32, #tpu.memory_space<vmem>>, vector<16xf32>,
      %get3A_193 = arith.index_cast %scan3A_12 : i32 to index
      %get3A_194 = arith.constant 48 : index
      %get3A_195 = tpu.vector_load %arg6[%get3A_193, %get3A_194] {strides = array<i32>} : memref<96x384xf32, #tpu.memory_space<vmem>>, vector<16xf32>,
      %mul3A_196 = arith.mulf %get3A_195, %mul3A_172 : vector<16xf32>
      %swap3A_197 = arith.index_cast %scan3A_12 : i32 to index
      %swap3A_198 = arith.constant 48 : index
      %swap3A_199 = tpu.vector_load %arg6[%swap3A_197, %swap3A_198] {strides = array<i32>} : memref<96x384xf32, #tpu.memory_space<vmem>>, vector<16xf32>,
      tpu.vector_store %arg6[%swap3A_197, %swap3A_198], %mul3A_196 {strides = array<i32>} : memref<96x384xf32, #tpu.memory_space<vmem>>, vector<16xf32>,
      %get3A_200 = arith.index_cast %scan3A_12 : i32 to index
      %get3A_201 = arith.constant 64 : index
      %get3A_202 = tpu.vector_load %arg6[%get3A_200, %get3A_201] {strides = array<i32>} : memref<96x384xf32, #tpu.memory_space<vmem>>, vector<16xf32>,
      %mul3A_203 = arith.mulf %get3A_202, %mul3A_172 : vector<16xf32>
      %swap3A_204 = arith.index_cast %scan3A_12 : i32 to index
      %swap3A_205 = arith.constant 64 : index
      %swap3A_206 = tpu.vector_load %arg6[%swap3A_204, %swap3A_205] {strides = array<i32>} : memref<96x384xf32, #tpu.memory_space<vmem>>, vector<16xf32>,
      tpu.vector_store %arg6[%swap3A_204, %swap3A_205], %mul3A_203 {strides = array<i32>} : memref<96x384xf32, #tpu.memory_space<vmem>>, vector<16xf32>,
      %get3A_207 = arith.index_cast %scan3A_12 : i32 to index
      %get3A_208 = arith.constant 80 : index
      %get3A_209 = tpu.vector_load %arg6[%get3A_207, %get3A_208] {strides = array<i32>} : memref<96x384xf32, #tpu.memory_space<vmem>>, vector<16xf32>,
      %mul3A_210 = arith.mulf %get3A_209, %mul3A_172 : vector<16xf32>
      %swap3A_211 = arith.index_cast %scan3A_12 : i32 to index
      %swap3A_212 = arith.constant 80 : index
      %swap3A_213 = tpu.vector_load %arg6[%swap3A_211, %swap3A_212] {strides = array<i32>} : memref<96x384xf32, #tpu.memory_space<vmem>>, vector<16xf32>,
      tpu.vector_store %arg6[%swap3A_211, %swap3A_212], %mul3A_210 {strides = array<i32>} : memref<96x384xf32, #tpu.memory_space<vmem>>, vector<16xf32>,
      %get3A_214 = arith.index_cast %scan3A_12 : i32 to index
      %get3A_215 = arith.constant 96 : index
      %get3A_216 = tpu.vector_load %arg6[%get3A_214, %get3A_215] {strides = array<i32>} : memref<96x384xf32, #tpu.memory_space<vmem>>, vector<16xf32>,
      %mul3A_217 = arith.mulf %get3A_216, %mul3A_172 : vector<16xf32>
      %swap3A_218 = arith.index_cast %scan3A_12 : i32 to index
      %swap3A_219 = arith.constant 96 : index
      %swap3A_220 = tpu.vector_load %arg6[%swap3A_218, %swap3A_219] {strides = array<i32>} : memref<96x384xf32, #tpu.memory_space<vmem>>, vector<16xf32>,
      tpu.vector_store %arg6[%swap3A_218, %swap3A_219], %mul3A_217 {strides = array<i32>} : memref<96x384xf32, #tpu.memory_space<vmem>>, vector<16xf32>,
      %get3A_221 = arith.index_cast %scan3A_12 : i32 to index
      %get3A_222 = arith.constant 112 : index
      %get3A_223 = tpu.vector_load %arg6[%get3A_221, %get3A_222] {strides = array<i32>} : memref<96x384xf32, #tpu.memory_space<vmem>>, vector<16xf32>,
      %mul3A_224 = arith.mulf %get3A_223, %mul3A_172 : vector<16xf32>
      %swap3A_225 = arith.index_cast %scan3A_12 : i32 to index
      %swap3A_226 = arith.constant 112 : index
      %swap3A_227 = tpu.vector_load %arg6[%swap3A_225, %swap3A_226] {strides = array<i32>} : memref<96x384xf32, #tpu.memory_space<vmem>>, vector<16xf32>,
      tpu.vector_store %arg6[%swap3A_225, %swap3A_226], %mul3A_224 {strides = array<i32>} : memref<96x384xf32, #tpu.memory_space<vmem>>, vector<16xf32>,
      %get3A_228 = arith.index_cast %scan3A_12 : i32 to index
      %get3A_229 = arith.constant 128 : index
      %get3A_230 = tpu.vector_load %arg6[%get3A_228, %get3A_229] {strides = array<i32>} : memref<96x384xf32, #tpu.memory_space<vmem>>, vector<16xf32>,
      %mul3A_231 = arith.mulf %get3A_230, %mul3A_172 : vector<16xf32>
      %swap3A_232 = arith.index_cast %scan3A_12 : i32 to index
      %swap3A_233 = arith.constant 128 : index
      %swap3A_234 = tpu.vector_load %arg6[%swap3A_232, %swap3A_233] {strides = array<i32>} : memref<96x384xf32, #tpu.memory_space<vmem>>, vector<16xf32>,
      tpu.vector_store %arg6[%swap3A_232, %swap3A_233], %mul3A_231 {strides = array<i32>} : memref<96x384xf32, #tpu.memory_space<vmem>>, vector<16xf32>,
      %get3A_235 = arith.index_cast %scan3A_12 : i32 to index
      %get3A_236 = arith.constant 144 : index
      %get3A_237 = tpu.vector_load %arg6[%get3A_235, %get3A_236] {strides = array<i32>} : memref<96x384xf32, #tpu.memory_space<vmem>>, vector<16xf32>,
      %mul3A_238 = arith.mulf %get3A_237, %mul3A_172 : vector<16xf32>
      %swap3A_239 = arith.index_cast %scan3A_12 : i32 to index
      %swap3A_240 = arith.constant 144 : index
      %swap3A_241 = tpu.vector_load %arg6[%swap3A_239, %swap3A_240] {strides = array<i32>} : memref<96x384xf32, #tpu.memory_space<vmem>>, vector<16xf32>,
      tpu.vector_store %arg6[%swap3A_239, %swap3A_240], %mul3A_238 {strides = array<i32>} : memref<96x384xf32, #tpu.memory_space<vmem>>, vector<16xf32>,
      %get3A_242 = arith.index_cast %scan3A_12 : i32 to index
      %get3A_243 = arith.constant 160 : index
      %get3A_244 = tpu.vector_load %arg6[%get3A_242, %get3A_243] {strides = array<i32>} : memref<96x384xf32, #tpu.memory_space<vmem>>, vector<16xf32>,
      %mul3A_245 = arith.mulf %get3A_244, %mul3A_172 : vector<16xf32>
      %swap3A_246 = arith.index_cast %scan3A_12 : i32 to index
      %swap3A_247 = arith.constant 160 : index
      %swap3A_248 = tpu.vector_load %arg6[%swap3A_246, %swap3A_247] {strides = array<i32>} : memref<96x384xf32, #tpu.memory_space<vmem>>, vector<16xf32>,
      tpu.vector_store %arg6[%swap3A_246, %swap3A_247], %mul3A_245 {strides = array<i32>} : memref<96x384xf32, #tpu.memory_space<vmem>>, vector<16xf32>,
      %get3A_249 = arith.index_cast %scan3A_12 : i32 to index
      %get3A_250 = arith.constant 176 : index
      %get3A_251 = tpu.vector_load %arg6[%get3A_249, %get3A_250] {strides = array<i32>} : memref<96x384xf32, #tpu.memory_space<vmem>>, vector<16xf32>,
      %mul3A_252 = arith.mulf %get3A_251, %mul3A_172 : vector<16xf32>
      %swap3A_253 = arith.index_cast %scan3A_12 : i32 to index
      %swap3A_254 = arith.constant 176 : index
      %swap3A_255 = tpu.vector_load %arg6[%swap3A_253, %swap3A_254] {strides = array<i32>} : memref<96x384xf32, #tpu.memory_space<vmem>>, vector<16xf32>,
      tpu.vector_store %arg6[%swap3A_253, %swap3A_254], %mul3A_252 {strides = array<i32>} : memref<96x384xf32, #tpu.memory_space<vmem>>, vector<16xf32>,
      %get3A_256 = arith.index_cast %scan3A_12 : i32 to index
      %get3A_257 = arith.constant 192 : index
      %get3A_258 = tpu.vector_load %arg6[%get3A_256, %get3A_257] {strides = array<i32>} : memref<96x384xf32, #tpu.memory_space<vmem>>, vector<16xf32>,
      %mul3A_259 = arith.mulf %get3A_258, %mul3A_172 : vector<16xf32>
      %swap3A_260 = arith.index_cast %scan3A_12 : i32 to index
      %swap3A_261 = arith.constant 192 : index
      %swap3A_262 = tpu.vector_load %arg6[%swap3A_260, %swap3A_261] {strides = array<i32>} : memref<96x384xf32, #tpu.memory_space<vmem>>, vector<16xf32>,
      tpu.vector_store %arg6[%swap3A_260, %swap3A_261], %mul3A_259 {strides = array<i32>} : memref<96x384xf32, #tpu.memory_space<vmem>>, vector<16xf32>,
      %get3A_263 = arith.index_cast %scan3A_12 : i32 to index
      %get3A_264 = arith.constant 208 : index
      %get3A_265 = tpu.vector_load %arg6[%get3A_263, %get3A_264] {strides = array<i32>} : memref<96x384xf32, #tpu.memory_space<vmem>>, vector<16xf32>,
      %mul3A_266 = arith.mulf %get3A_265, %mul3A_172 : vector<16xf32>
      %swap3A_267 = arith.index_cast %scan3A_12 : i32 to index
      %swap3A_268 = arith.constant 208 : index
      %swap3A_269 = tpu.vector_load %arg6[%swap3A_267, %swap3A_268] {strides = array<i32>} : memref<96x384xf32, #tpu.memory_space<vmem>>, vector<16xf32>,
      tpu.vector_store %arg6[%swap3A_267, %swap3A_268], %mul3A_266 {strides = array<i32>} : memref<96x384xf32, #tpu.memory_space<vmem>>, vector<16xf32>,
      %get3A_270 = arith.index_cast %scan3A_12 : i32 to index
      %get3A_271 = arith.constant 224 : index
      %get3A_272 = tpu.vector_load %arg6[%get3A_270, %get3A_271] {strides = array<i32>} : memref<96x384xf32, #tpu.memory_space<vmem>>, vector<16xf32>,
      %mul3A_273 = arith.mulf %get3A_272, %mul3A_172 : vector<16xf32>
      %swap3A_274 = arith.index_cast %scan3A_12 : i32 to index
      %swap3A_275 = arith.constant 224 : index
      %swap3A_276 = tpu.vector_load %arg6[%swap3A_274, %swap3A_275] {strides = array<i32>} : memref<96x384xf32, #tpu.memory_space<vmem>>, vector<16xf32>,
      tpu.vector_store %arg6[%swap3A_274, %swap3A_275], %mul3A_273 {strides = array<i32>} : memref<96x384xf32, #tpu.memory_space<vmem>>, vector<16xf32>,
      %get3A_277 = arith.index_cast %scan3A_12 : i32 to index
      %get3A_278 = arith.constant 240 : index
      %get3A_279 = tpu.vector_load %arg6[%get3A_277, %get3A_278] {strides = array<i32>} : memref<96x384xf32, #tpu.memory_space<vmem>>, vector<16xf32>,
      %mul3A_280 = arith.mulf %get3A_279, %mul3A_172 : vector<16xf32>
      %swap3A_281 = arith.index_cast %scan3A_12 : i32 to index
      %swap3A_282 = arith.constant 240 : index
      %swap3A_283 = tpu.vector_load %arg6[%swap3A_281, %swap3A_282] {strides = array<i32>} : memref<96x384xf32, #tpu.memory_space<vmem>>, vector<16xf32>,
      tpu.vector_store %arg6[%swap3A_281, %swap3A_282], %mul3A_280 {strides = array<i32>} : memref<96x384xf32, #tpu.memory_space<vmem>>, vector<16xf32>,
      %get3A_284 = arith.index_cast %scan3A_12 : i32 to index
      %get3A_285 = arith.constant 256 : index
      %get3A_286 = tpu.vector_load %arg6[%get3A_284, %get3A_285] {strides = array<i32>} : memref<96x384xf32, #tpu.memory_space<vmem>>, vector<16xf32>,
      %mul3A_287 = arith.mulf %get3A_286, %mul3A_172 : vector<16xf32>
      %swap3A_288 = arith.index_cast %scan3A_12 : i32 to index
      %swap3A_289 = arith.constant 256 : index
      %swap3A_290 = tpu.vector_load %arg6[%swap3A_288, %swap3A_289] {strides = array<i32>} : memref<96x384xf32, #tpu.memory_space<vmem>>, vector<16xf32>,
      tpu.vector_store %arg6[%swap3A_288, %swap3A_289], %mul3A_287 {strides = array<i32>} : memref<96x384xf32, #tpu.memory_space<vmem>>, vector<16xf32>,
      %get3A_291 = arith.index_cast %scan3A_12 : i32 to index
      %get3A_292 = arith.constant 272 : index
      %get3A_293 = tpu.vector_load %arg6[%get3A_291, %get3A_292] {strides = array<i32>} : memref<96x384xf32, #tpu.memory_space<vmem>>, vector<16xf32>,
      %mul3A_294 = arith.mulf %get3A_293, %mul3A_172 : vector<16xf32>
      %swap3A_295 = arith.index_cast %scan3A_12 : i32 to index
      %swap3A_296 = arith.constant 272 : index
      %swap3A_297 = tpu.vector_load %arg6[%swap3A_295, %swap3A_296] {strides = array<i32>} : memref<96x384xf32, #tpu.memory_space<vmem>>, vector<16xf32>,
      tpu.vector_store %arg6[%swap3A_295, %swap3A_296], %mul3A_294 {strides = array<i32>} : memref<96x384xf32, #tpu.memory_space<vmem>>, vector<16xf32>,
      %get3A_298 = arith.index_cast %scan3A_12 : i32 to index
      %get3A_299 = arith.constant 288 : index
      %get3A_300 = tpu.vector_load %arg6[%get3A_298, %get3A_299] {strides = array<i32>} : memref<96x384xf32, #tpu.memory_space<vmem>>, vector<16xf32>,
      %mul3A_301 = arith.mulf %get3A_300, %mul3A_172 : vector<16xf32>
      %swap3A_302 = arith.index_cast %scan3A_12 : i32 to index
      %swap3A_303 = arith.constant 288 : index
      %swap3A_304 = tpu.vector_load %arg6[%swap3A_302, %swap3A_303] {strides = array<i32>} : memref<96x384xf32, #tpu.memory_space<vmem>>, vector<16xf32>,
      tpu.vector_store %arg6[%swap3A_302, %swap3A_303], %mul3A_301 {strides = array<i32>} : memref<96x384xf32, #tpu.memory_space<vmem>>, vector<16xf32>,
      %get3A_305 = arith.index_cast %scan3A_12 : i32 to index
      %get3A_306 = arith.constant 304 : index
      %get3A_307 = tpu.vector_load %arg6[%get3A_305, %get3A_306] {strides = array<i32>} : memref<96x384xf32, #tpu.memory_space<vmem>>, vector<16xf32>,
      %mul3A_308 = arith.mulf %get3A_307, %mul3A_172 : vector<16xf32>
      %swap3A_309 = arith.index_cast %scan3A_12 : i32 to index
      %swap3A_310 = arith.constant 304 : index
      %swap3A_311 = tpu.vector_load %arg6[%swap3A_309, %swap3A_310] {strides = array<i32>} : memref<96x384xf32, #tpu.memory_space<vmem>>, vector<16xf32>,
      tpu.vector_store %arg6[%swap3A_309, %swap3A_310], %mul3A_308 {strides = array<i32>} : memref<96x384xf32, #tpu.memory_space<vmem>>, vector<16xf32>,
      %get3A_312 = arith.index_cast %scan3A_12 : i32 to index
      %get3A_313 = arith.constant 320 : index
      %get3A_314 = tpu.vector_load %arg6[%get3A_312, %get3A_313] {strides = array<i32>} : memref<96x384xf32, #tpu.memory_space<vmem>>, vector<16xf32>,
      %mul3A_315 = arith.mulf %get3A_314, %mul3A_172 : vector<16xf32>
      %swap3A_316 = arith.index_cast %scan3A_12 : i32 to index
      %swap3A_317 = arith.constant 320 : index
      %swap3A_318 = tpu.vector_load %arg6[%swap3A_316, %swap3A_317] {strides = array<i32>} : memref<96x384xf32, #tpu.memory_space<vmem>>, vector<16xf32>,
      tpu.vector_store %arg6[%swap3A_316, %swap3A_317], %mul3A_315 {strides = array<i32>} : memref<96x384xf32, #tpu.memory_space<vmem>>, vector<16xf32>,
      %get3A_319 = arith.index_cast %scan3A_12 : i32 to index
      %get3A_320 = arith.constant 336 : index
      %get3A_321 = tpu.vector_load %arg6[%get3A_319, %get3A_320] {strides = array<i32>} : memref<96x384xf32, #tpu.memory_space<vmem>>, vector<16xf32>,
      %mul3A_322 = arith.mulf %get3A_321, %mul3A_172 : vector<16xf32>
      %swap3A_323 = arith.index_cast %scan3A_12 : i32 to index
      %swap3A_324 = arith.constant 336 : index
      %swap3A_325 = tpu.vector_load %arg6[%swap3A_323, %swap3A_324] {strides = array<i32>} : memref<96x384xf32, #tpu.memory_space<vmem>>, vector<16xf32>,
      tpu.vector_store %arg6[%swap3A_323, %swap3A_324], %mul3A_322 {strides = array<i32>} : memref<96x384xf32, #tpu.memory_space<vmem>>, vector<16xf32>,
      %get3A_326 = arith.index_cast %scan3A_12 : i32 to index
      %get3A_327 = arith.constant 352 : index
      %get3A_328 = tpu.vector_load %arg6[%get3A_326, %get3A_327] {strides = array<i32>} : memref<96x384xf32, #tpu.memory_space<vmem>>, vector<16xf32>,
      %mul3A_329 = arith.mulf %get3A_328, %mul3A_172 : vector<16xf32>
      %swap3A_330 = arith.index_cast %scan3A_12 : i32 to index
      %swap3A_331 = arith.constant 352 : index
      %swap3A_332 = tpu.vector_load %arg6[%swap3A_330, %swap3A_331] {strides = array<i32>} : memref<96x384xf32, #tpu.memory_space<vmem>>, vector<16xf32>,
      tpu.vector_store %arg6[%swap3A_330, %swap3A_331], %mul3A_329 {strides = array<i32>} : memref<96x384xf32, #tpu.memory_space<vmem>>, vector<16xf32>,
      %get3A_333 = arith.index_cast %scan3A_12 : i32 to index
      %get3A_334 = arith.constant 368 : index
      %get3A_335 = tpu.vector_load %arg6[%get3A_333, %get3A_334] {strides = array<i32>} : memref<96x384xf32, #tpu.memory_space<vmem>>, vector<16xf32>,
      %mul3A_336 = arith.mulf %get3A_335, %mul3A_172 : vector<16xf32>
      %swap3A_337 = arith.index_cast %scan3A_12 : i32 to index
      %swap3A_338 = arith.constant 368 : index
      %swap3A_339 = tpu.vector_load %arg6[%swap3A_337, %swap3A_338] {strides = array<i32>} : memref<96x384xf32, #tpu.memory_space<vmem>>, vector<16xf32>,
      tpu.vector_store %arg6[%swap3A_337, %swap3A_338], %mul3A_336 {strides = array<i32>} : memref<96x384xf32, #tpu.memory_space<vmem>>, vector<16xf32>,
    }
    %scan3A_11 = arith.constant 96 : i32
    "tpu.region"() ({
      %run_scoped3A = tpu.sem_alloc : memref<!tpu.dma_semaphore, #tpu.memory_space<semaphore_mem>>
      %dma_start3A_12 = arith.constant 0 : i32
      %dma_start3A_13 = tpu.memref_slice %arg4[%mul3A_2, %dma_start3A_12] : memref<3072x384xf32, #tpu.memory_space<hbm>> -> memref<96x384xf32, #tpu.memory_space<hbm>>
      %dma_start3A_14 = arith.constant 0 : i32
      %dma_start3A_15 = tpu.memref_slice %arg4[%mul3A_2, %dma_start3A_14] : memref<3072x384xf32, #tpu.memory_space<hbm>> -> memref<96x384xf32, #tpu.memory_space<hbm>>
      tpu.enqueue_dma source(%arg6 : memref<96x384xf32, #tpu.memory_space<vmem>>) target(%dma_start3A_15 : memref<96x384xf32, #tpu.memory_space<hbm>>) target_semaphore(%run_scoped3A : memref<!tpu.dma_semaphore, #tpu.memory_space<semaphore_mem>>)
      %dma_wait3A_16 = arith.constant 0 : i32
      %dma_wait3A_17 = tpu.memref_slice %arg4[%mul3A_2, %dma_wait3A_16] : memref<3072x384xf32, #tpu.memory_space<hbm>> -> memref<96x384xf32, #tpu.memory_space<hbm>>
      %dma_wait3A_18 = arith.constant 0 : i32
      %dma_wait3A_19 = tpu.memref_slice %arg4[%mul3A_2, %dma_wait3A_18] : memref<3072x384xf32, #tpu.memory_space<hbm>> -> memref<96x384xf32, #tpu.memory_space<hbm>>
      tpu.wait_dma2 semaphore(%run_scoped3A : memref<!tpu.dma_semaphore, #tpu.memory_space<semaphore_mem>>) src(%arg6 : memref<96x384xf32, #tpu.memory_space<vmem>>) dst(%dma_wait3A_19 : memref<96x384xf32, #tpu.memory_space<hbm>>)
      tpu.yield
    }) : () -> ()
    return
  }
}

module attributes {stable_mosaic.version = 14 : i64} {
  func.func @_topk_body(%arg0: i32, %arg1: memref<1024x384xf32, #tpu.memory_space<vmem>>, %arg2: memref<2560x384xf32, #tpu.memory_space<vmem>>, %arg3: memref<2560x384xf32, #tpu.memory_space<vmem>>, %arg4: memref<1024x128xf32, #tpu.memory_space<vmem>>, %arg5: memref<1024x128xf32, #tpu.memory_space<vmem>>, %arg6: memref<1024x128xf32, #tpu.memory_space<vmem>>, %arg7: memref<1024x128xi32, #tpu.memory_space<vmem>>, %arg8: memref<1024x128xi32, #tpu.memory_space<vmem>>, %arg9: memref<1024x128xi32, #tpu.memory_space<vmem>>) attributes {dimension_semantics = [#tpu.dimension_semantics<arbitrary>], iteration_bounds = array<i64: 20>, scalar_prefetch = 0 : i64, scratch_operands = 0 : i64, tpu.core_type = #tpu.core_type<tc>, window_params = [{pipeline_mode = #tpu.pipeline_mode<synchronous>, transform_indices = @transform_0, window_bounds = array<i64: 1024, 384>}, {transform_indices = @transform_1, window_bounds = array<i64: 2560, 384>}, {transform_indices = @transform_2, window_bounds = array<i64: 2560, 384>}, {pipeline_mode = #tpu.pipeline_mode<synchronous>, transform_indices = @transform_3, window_bounds = array<i64: 1024, 128>}, {pipeline_mode = #tpu.pipeline_mode<synchronous>, transform_indices = @transform_4, window_bounds = array<i64: 1024, 128>}, {pipeline_mode = #tpu.pipeline_mode<synchronous>, transform_indices = @transform_5, window_bounds = array<i64: 1024, 128>}, {pipeline_mode = #tpu.pipeline_mode<synchronous>, transform_indices = @transform_6, window_bounds = array<i64: 1024, 128>}, {pipeline_mode = #tpu.pipeline_mode<synchronous>, transform_indices = @transform_7, window_bounds = array<i64: 1024, 128>}, {pipeline_mode = #tpu.pipeline_mode<synchronous>, transform_indices = @transform_8, window_bounds = array<i64: 1024, 128>}]} {
    %eq3A = arith.constant 0 : i32
    %eq3A_0 = arith.cmpi eq, %arg0, %eq3A : i32
    %convert_element_type3A = arith.extui %eq3A_0 : i1 to i32
    %cond3A = arith.constant 0 : i32
    %cond3A_1 = arith.cmpi ne, %convert_element_type3A, %cond3A : i32
    scf.if %cond3A_1 {
      %broadcast_in_dim3A_709 = arith.constant 0xFF800000 : f32
      %broadcast_in_dim3A_710 = vector.broadcast %broadcast_in_dim3A_709 : f32 to vector<1024x128xf32>
      %swap3A_711 = arith.constant 0 : index
      %swap3A_712 = arith.constant 0 : index
      %swap3A_713 = vector.load %arg4[%swap3A_711, %swap3A_712] : memref<1024x128xf32, #tpu.memory_space<vmem>>, vector<1024x128xf32>
      tpu.vector_store %arg4[%swap3A_711, %swap3A_712], %broadcast_in_dim3A_710 {strides = array<i32>} : memref<1024x128xf32, #tpu.memory_space<vmem>>, vector<1024x128xf32>,
      %swap3A_714 = arith.constant 0 : index
      %swap3A_715 = arith.constant 0 : index
      %swap3A_716 = vector.load %arg5[%swap3A_714, %swap3A_715] : memref<1024x128xf32, #tpu.memory_space<vmem>>, vector<1024x128xf32>
      tpu.vector_store %arg5[%swap3A_714, %swap3A_715], %broadcast_in_dim3A_710 {strides = array<i32>} : memref<1024x128xf32, #tpu.memory_space<vmem>>, vector<1024x128xf32>,
      %swap3A_717 = arith.constant 0 : index
      %swap3A_718 = arith.constant 0 : index
      %swap3A_719 = vector.load %arg6[%swap3A_717, %swap3A_718] : memref<1024x128xf32, #tpu.memory_space<vmem>>, vector<1024x128xf32>
      tpu.vector_store %arg6[%swap3A_717, %swap3A_718], %broadcast_in_dim3A_710 {strides = array<i32>} : memref<1024x128xf32, #tpu.memory_space<vmem>>, vector<1024x128xf32>,
      %broadcast_in_dim3A_720 = arith.constant 0 : i32
      %broadcast_in_dim3A_721 = vector.broadcast %broadcast_in_dim3A_720 : i32 to vector<1024x128xi32>
      %swap3A_722 = arith.constant 0 : index
      %swap3A_723 = arith.constant 0 : index
      %swap3A_724 = vector.load %arg7[%swap3A_722, %swap3A_723] : memref<1024x128xi32, #tpu.memory_space<vmem>>, vector<1024x128xi32>
      tpu.vector_store %arg7[%swap3A_722, %swap3A_723], %broadcast_in_dim3A_721 {strides = array<i32>} : memref<1024x128xi32, #tpu.memory_space<vmem>>, vector<1024x128xi32>,
      %swap3A_725 = arith.constant 0 : index
      %swap3A_726 = arith.constant 0 : index
      %swap3A_727 = vector.load %arg8[%swap3A_725, %swap3A_726] : memref<1024x128xi32, #tpu.memory_space<vmem>>, vector<1024x128xi32>
      tpu.vector_store %arg8[%swap3A_725, %swap3A_726], %broadcast_in_dim3A_721 {strides = array<i32>} : memref<1024x128xi32, #tpu.memory_space<vmem>>, vector<1024x128xi32>,
      %swap3A_728 = arith.constant 0 : index
      %swap3A_729 = arith.constant 0 : index
      %swap3A_730 = vector.load %arg9[%swap3A_728, %swap3A_729] : memref<1024x128xi32, #tpu.memory_space<vmem>>, vector<1024x128xi32>
      tpu.vector_store %arg9[%swap3A_728, %swap3A_729], %broadcast_in_dim3A_721 {strides = array<i32>} : memref<1024x128xi32, #tpu.memory_space<vmem>>, vector<1024x128xi32>,
    } else {
    }
    %get3A = arith.constant 0 : index
    %get3A_2 = arith.constant 0 : index
    %get3A_3 = vector.load %arg4[%get3A, %get3A_2] : memref<1024x128xf32, #tpu.memory_space<vmem>>, vector<1024x128xf32>
    %get3A_4 = arith.constant 0 : index
    %get3A_5 = arith.constant 0 : index
    %get3A_6 = vector.load %arg5[%get3A_4, %get3A_5] : memref<1024x128xf32, #tpu.memory_space<vmem>>, vector<1024x128xf32>
    %get3A_7 = arith.constant 0 : index
    %get3A_8 = arith.constant 0 : index
    %get3A_9 = vector.load %arg6[%get3A_7, %get3A_8] : memref<1024x128xf32, #tpu.memory_space<vmem>>, vector<1024x128xf32>
    %get3A_10 = arith.constant 0 : index
    %get3A_11 = arith.constant 0 : index
    %get3A_12 = vector.load %arg7[%get3A_10, %get3A_11] : memref<1024x128xi32, #tpu.memory_space<vmem>>, vector<1024x128xi32>
    %get3A_13 = arith.constant 0 : index
    %get3A_14 = arith.constant 0 : index
    %get3A_15 = vector.load %arg8[%get3A_13, %get3A_14] : memref<1024x128xi32, #tpu.memory_space<vmem>>, vector<1024x128xi32>
    %get3A_16 = arith.constant 0 : index
    %get3A_17 = arith.constant 0 : index
    %get3A_18 = vector.load %arg9[%get3A_16, %get3A_17] : memref<1024x128xi32, #tpu.memory_space<vmem>>, vector<1024x128xi32>
    %get3A_19 = arith.constant 0 : index
    %get3A_20 = arith.constant 0 : index
    %get3A_21 = vector.load %arg2[%get3A_19, %get3A_20] : memref<2560x384xf32, #tpu.memory_space<vmem>>, vector<2560x384xf32>
    %mul3A = arith.mulf %get3A_21, %get3A_21 : vector<2560x384xf32>
    %reduce_sum3A = arith.constant dense<0.000000e+00> : vector<2560xf32>
    %reduce_sum3A_22 = vector.multi_reduction <add>, %mul3A, %reduce_sum3A [1] : vector<2560x384xf32> to vector<2560xf32>
    %broadcast_in_dim3A = vector.shape_cast %reduce_sum3A_22 : vector<2560xf32> to vector<2560x1xf32>
    %sqrt3A = math.sqrt %broadcast_in_dim3A : vector<2560x1xf32>
    %add3A = arith.constant 9.99999996E-13 : f32
    %add3A_23 = vector.broadcast %add3A : f32 to vector<2560x1xf32>
    %add3A_24 = arith.addf %sqrt3A, %add3A_23 : vector<2560x1xf32>
    %div3A = arith.constant 1.000000e+00 : f32
    %div3A_25 = vector.broadcast %div3A : f32 to vector<2560x1xf32>
    %div3A_26 = arith.divf %div3A_25, %add3A_24 : vector<2560x1xf32>
    %iota3A = tpu.iota {dimensions = array<i32: 0>} : vector<2560x1xi32>
    %mul3A_27 = arith.constant 5120 : i32
    %mul3A_28 = arith.muli %arg0, %mul3A_27 : i32
    %add3A_29 = vector.broadcast %mul3A_28 : i32 to vector<2560x1xi32>
    %add3A_30 = arith.addi %iota3A, %add3A_29 : vector<2560x1xi32>
    %add3A_31 = arith.constant 0 : i32
    %add3A_32 = vector.broadcast %add3A_31 : i32 to vector<2560x1xi32>
    %add3A_33 = arith.addi %add3A_30, %add3A_32 : vector<2560x1xi32>
    %lt3A = arith.constant 100000 : i32
    %lt3A_34 = vector.broadcast %lt3A : i32 to vector<2560x1xi32>
    %lt3A_35 = arith.cmpi slt, %add3A_33, %lt3A_34 : vector<2560x1xi32>
    %mul3A_36 = vector.broadcast %div3A_26 : vector<2560x1xf32> to vector<2560x384xf32>
    %mul3A_37 = arith.mulf %get3A_21, %mul3A_36 : vector<2560x384xf32>
    %jit3A = arith.constant 0.000000e+00 : f32
    %broadcast_in_dim3A_38 = vector.shape_cast %lt3A_35 : vector<2560x1xi1> to vector<2560x1xi1>
    %broadcast_in_dim3A_39 = vector.broadcast %broadcast_in_dim3A_38 : vector<2560x1xi1> to vector<2560x384xi1>
    %broadcast_in_dim3A_40 = vector.broadcast %jit3A : f32 to vector<2560x384xf32>
    %select_n3A = arith.select %broadcast_in_dim3A_39, %mul3A_37, %broadcast_in_dim3A_40 : vector<2560x384xi1>, vector<2560x384xf32>
    %mul3A_41 = arith.constant 40 : i32
    %mul3A_42 = arith.muli %arg0, %mul3A_41 : i32
    %add3A_43 = arith.constant 0 : i32
    %add3A_44 = arith.addi %mul3A_42, %add3A_43 : i32
    %get3A_45 = arith.constant 0 : index
    %get3A_46 = arith.constant 0 : index
    %get3A_47 = vector.load %arg1[%get3A_45, %get3A_46] : memref<1024x384xf32, #tpu.memory_space<vmem>>, vector<1024x384xf32>
    %slice3A = vector.extract_strided_slice %select_n3A {offsets = [0, 0], sizes = [1280, 384], strides = [1, 1]} : vector<2560x384xf32> to vector<1280x384xf32>
    %dot_general3A = arith.constant dense<0.000000e+00> : vector<1024x1280xf32>
    %dot_general3A_48 = tpu.matmul %get3A_47, %slice3A, %dot_general3A {dimension_numbers = #tpu.dot_dimension_numbers<[1], [1], [0], [0], [0, 0, 1, 0], [], []>, transpose_lhs_hint = false} : vector<1024x384xf32>, vector<1280x384xf32>, vector<1024x1280xf32> -> vector<1024x1280xf32>
    %slice3A_49 = vector.extract_strided_slice %dot_general3A_48 {offsets = [0, 0], sizes = [1024, 128], strides = [1, 1]} : vector<1024x1280xf32> to vector<1024x128xf32>
    %slice3A_50 = vector.extract_strided_slice %dot_general3A_48 {offsets = [0, 128], sizes = [1024, 128], strides = [1, 1]} : vector<1024x1280xf32> to vector<1024x128xf32>
    %add3A_51 = arith.constant 0 : i32
    %add3A_52 = arith.addi %add3A_44, %add3A_51 : i32
    %add3A_53 = arith.constant 0 : i32
    %add3A_54 = arith.addi %add3A_52, %add3A_53 : i32
    %broadcast_in_dim3A_55 = vector.broadcast %add3A_54 : i32 to vector<1024x128xi32>
    %add3A_56 = arith.constant 0 : i32
    %add3A_57 = arith.addi %add3A_44, %add3A_56 : i32
    %add3A_58 = arith.constant 0 : i32
    %add3A_59 = arith.addi %add3A_57, %add3A_58 : i32
    %add3A_60 = arith.constant 1 : i32
    %add3A_61 = arith.addi %add3A_59, %add3A_60 : i32
    %broadcast_in_dim3A_62 = vector.broadcast %add3A_61 : i32 to vector<1024x128xi32>
    %ge3A = arith.cmpf oge, %slice3A_49, %slice3A_50 : vector<1024x128xf32>
    %select_n3A_63 = arith.select %ge3A, %slice3A_49, %slice3A_50 : vector<1024x128xi1>, vector<1024x128xf32>
    %select_n3A_64 = arith.select %ge3A, %slice3A_50, %slice3A_49 : vector<1024x128xi1>, vector<1024x128xf32>
    %select_n3A_65 = arith.select %ge3A, %broadcast_in_dim3A_55, %broadcast_in_dim3A_62 : vector<1024x128xi1>, vector<1024x128xi32>
    %select_n3A_66 = arith.select %ge3A, %broadcast_in_dim3A_62, %broadcast_in_dim3A_55 : vector<1024x128xi1>, vector<1024x128xi32>
    %slice3A_67 = vector.extract_strided_slice %dot_general3A_48 {offsets = [0, 256], sizes = [1024, 128], strides = [1, 1]} : vector<1024x1280xf32> to vector<1024x128xf32>
    %slice3A_68 = vector.extract_strided_slice %dot_general3A_48 {offsets = [0, 384], sizes = [1024, 128], strides = [1, 1]} : vector<1024x1280xf32> to vector<1024x128xf32>
    %add3A_69 = arith.constant 0 : i32
    %add3A_70 = arith.addi %add3A_44, %add3A_69 : i32
    %add3A_71 = arith.constant 2 : i32
    %add3A_72 = arith.addi %add3A_70, %add3A_71 : i32
    %broadcast_in_dim3A_73 = vector.broadcast %add3A_72 : i32 to vector<1024x128xi32>
    %add3A_74 = arith.constant 0 : i32
    %add3A_75 = arith.addi %add3A_44, %add3A_74 : i32
    %add3A_76 = arith.constant 2 : i32
    %add3A_77 = arith.addi %add3A_75, %add3A_76 : i32
    %add3A_78 = arith.constant 1 : i32
    %add3A_79 = arith.addi %add3A_77, %add3A_78 : i32
    %broadcast_in_dim3A_80 = vector.broadcast %add3A_79 : i32 to vector<1024x128xi32>
    %ge3A_81 = arith.cmpf oge, %slice3A_67, %slice3A_68 : vector<1024x128xf32>
    %select_n3A_82 = arith.select %ge3A_81, %slice3A_67, %slice3A_68 : vector<1024x128xi1>, vector<1024x128xf32>
    %select_n3A_83 = arith.select %ge3A_81, %slice3A_68, %slice3A_67 : vector<1024x128xi1>, vector<1024x128xf32>
    %select_n3A_84 = arith.select %ge3A_81, %broadcast_in_dim3A_73, %broadcast_in_dim3A_80 : vector<1024x128xi1>, vector<1024x128xi32>
    %select_n3A_85 = arith.select %ge3A_81, %broadcast_in_dim3A_80, %broadcast_in_dim3A_73 : vector<1024x128xi1>, vector<1024x128xi32>
    %slice3A_86 = vector.extract_strided_slice %dot_general3A_48 {offsets = [0, 512], sizes = [1024, 128], strides = [1, 1]} : vector<1024x1280xf32> to vector<1024x128xf32>
    %slice3A_87 = vector.extract_strided_slice %dot_general3A_48 {offsets = [0, 640], sizes = [1024, 128], strides = [1, 1]} : vector<1024x1280xf32> to vector<1024x128xf32>
    %add3A_88 = arith.constant 0 : i32
    %add3A_89 = arith.addi %add3A_44, %add3A_88 : i32
    %add3A_90 = arith.constant 4 : i32
    %add3A_91 = arith.addi %add3A_89, %add3A_90 : i32
    %broadcast_in_dim3A_92 = vector.broadcast %add3A_91 : i32 to vector<1024x128xi32>
    %add3A_93 = arith.constant 0 : i32
    %add3A_94 = arith.addi %add3A_44, %add3A_93 : i32
    %add3A_95 = arith.constant 4 : i32
    %add3A_96 = arith.addi %add3A_94, %add3A_95 : i32
    %add3A_97 = arith.constant 1 : i32
    %add3A_98 = arith.addi %add3A_96, %add3A_97 : i32
    %broadcast_in_dim3A_99 = vector.broadcast %add3A_98 : i32 to vector<1024x128xi32>
    %ge3A_100 = arith.cmpf oge, %slice3A_86, %slice3A_87 : vector<1024x128xf32>
    %select_n3A_101 = arith.select %ge3A_100, %slice3A_86, %slice3A_87 : vector<1024x128xi1>, vector<1024x128xf32>
    %select_n3A_102 = arith.select %ge3A_100, %slice3A_87, %slice3A_86 : vector<1024x128xi1>, vector<1024x128xf32>
    %select_n3A_103 = arith.select %ge3A_100, %broadcast_in_dim3A_92, %broadcast_in_dim3A_99 : vector<1024x128xi1>, vector<1024x128xi32>
    %select_n3A_104 = arith.select %ge3A_100, %broadcast_in_dim3A_99, %broadcast_in_dim3A_92 : vector<1024x128xi1>, vector<1024x128xi32>
    %slice3A_105 = vector.extract_strided_slice %dot_general3A_48 {offsets = [0, 768], sizes = [1024, 128], strides = [1, 1]} : vector<1024x1280xf32> to vector<1024x128xf32>
    %slice3A_106 = vector.extract_strided_slice %dot_general3A_48 {offsets = [0, 896], sizes = [1024, 128], strides = [1, 1]} : vector<1024x1280xf32> to vector<1024x128xf32>
    %add3A_107 = arith.constant 0 : i32
    %add3A_108 = arith.addi %add3A_44, %add3A_107 : i32
    %add3A_109 = arith.constant 6 : i32
    %add3A_110 = arith.addi %add3A_108, %add3A_109 : i32
    %broadcast_in_dim3A_111 = vector.broadcast %add3A_110 : i32 to vector<1024x128xi32>
    %add3A_112 = arith.constant 0 : i32
    %add3A_113 = arith.addi %add3A_44, %add3A_112 : i32
    %add3A_114 = arith.constant 6 : i32
    %add3A_115 = arith.addi %add3A_113, %add3A_114 : i32
    %add3A_116 = arith.constant 1 : i32
    %add3A_117 = arith.addi %add3A_115, %add3A_116 : i32
    %broadcast_in_dim3A_118 = vector.broadcast %add3A_117 : i32 to vector<1024x128xi32>
    %ge3A_119 = arith.cmpf oge, %slice3A_105, %slice3A_106 : vector<1024x128xf32>
    %select_n3A_120 = arith.select %ge3A_119, %slice3A_105, %slice3A_106 : vector<1024x128xi1>, vector<1024x128xf32>
    %select_n3A_121 = arith.select %ge3A_119, %slice3A_106, %slice3A_105 : vector<1024x128xi1>, vector<1024x128xf32>
    %select_n3A_122 = arith.select %ge3A_119, %broadcast_in_dim3A_111, %broadcast_in_dim3A_118 : vector<1024x128xi1>, vector<1024x128xi32>
    %select_n3A_123 = arith.select %ge3A_119, %broadcast_in_dim3A_118, %broadcast_in_dim3A_111 : vector<1024x128xi1>, vector<1024x128xi32>
    %slice3A_124 = vector.extract_strided_slice %dot_general3A_48 {offsets = [0, 1024], sizes = [1024, 128], strides = [1, 1]} : vector<1024x1280xf32> to vector<1024x128xf32>
    %slice3A_125 = vector.extract_strided_slice %dot_general3A_48 {offsets = [0, 1152], sizes = [1024, 128], strides = [1, 1]} : vector<1024x1280xf32> to vector<1024x128xf32>
    %add3A_126 = arith.constant 0 : i32
    %add3A_127 = arith.addi %add3A_44, %add3A_126 : i32
    %add3A_128 = arith.constant 8 : i32
    %add3A_129 = arith.addi %add3A_127, %add3A_128 : i32
    %broadcast_in_dim3A_130 = vector.broadcast %add3A_129 : i32 to vector<1024x128xi32>
    %add3A_131 = arith.constant 0 : i32
    %add3A_132 = arith.addi %add3A_44, %add3A_131 : i32
    %add3A_133 = arith.constant 8 : i32
    %add3A_134 = arith.addi %add3A_132, %add3A_133 : i32
    %add3A_135 = arith.constant 1 : i32
    %add3A_136 = arith.addi %add3A_134, %add3A_135 : i32
    %broadcast_in_dim3A_137 = vector.broadcast %add3A_136 : i32 to vector<1024x128xi32>
    %ge3A_138 = arith.cmpf oge, %slice3A_124, %slice3A_125 : vector<1024x128xf32>
    %select_n3A_139 = arith.select %ge3A_138, %slice3A_124, %slice3A_125 : vector<1024x128xi1>, vector<1024x128xf32>
    %select_n3A_140 = arith.select %ge3A_138, %slice3A_125, %slice3A_124 : vector<1024x128xi1>, vector<1024x128xf32>
    %select_n3A_141 = arith.select %ge3A_138, %broadcast_in_dim3A_130, %broadcast_in_dim3A_137 : vector<1024x128xi1>, vector<1024x128xi32>
    %select_n3A_142 = arith.select %ge3A_138, %broadcast_in_dim3A_137, %broadcast_in_dim3A_130 : vector<1024x128xi1>, vector<1024x128xi32>
    %get3A_143 = arith.constant 0 : index
    %get3A_144 = arith.constant 0 : index
    %get3A_145 = vector.load %arg1[%get3A_143, %get3A_144] : memref<1024x384xf32, #tpu.memory_space<vmem>>, vector<1024x384xf32>
    %slice3A_146 = vector.extract_strided_slice %select_n3A {offsets = [1280, 0], sizes = [1280, 384], strides = [1, 1]} : vector<2560x384xf32> to vector<1280x384xf32>
    %dot_general3A_147 = arith.constant dense<0.000000e+00> : vector<1024x1280xf32>
    %dot_general3A_148 = tpu.matmul %get3A_145, %slice3A_146, %dot_general3A_147 {dimension_numbers = #tpu.dot_dimension_numbers<[1], [1], [0], [0], [0, 0, 1, 0], [], []>, transpose_lhs_hint = false} : vector<1024x384xf32>, vector<1280x384xf32>, vector<1024x1280xf32> -> vector<1024x1280xf32>
    %slice3A_149 = vector.extract_strided_slice %dot_general3A_148 {offsets = [0, 0], sizes = [1024, 128], strides = [1, 1]} : vector<1024x1280xf32> to vector<1024x128xf32>
    %slice3A_150 = vector.extract_strided_slice %dot_general3A_148 {offsets = [0, 128], sizes = [1024, 128], strides = [1, 1]} : vector<1024x1280xf32> to vector<1024x128xf32>
    %add3A_151 = arith.constant 10 : i32
    %add3A_152 = arith.addi %add3A_44, %add3A_151 : i32
    %add3A_153 = arith.constant 0 : i32
    %add3A_154 = arith.addi %add3A_152, %add3A_153 : i32
    %broadcast_in_dim3A_155 = vector.broadcast %add3A_154 : i32 to vector<1024x128xi32>
    %add3A_156 = arith.constant 10 : i32
    %add3A_157 = arith.addi %add3A_44, %add3A_156 : i32
    %add3A_158 = arith.constant 0 : i32
    %add3A_159 = arith.addi %add3A_157, %add3A_158 : i32
    %add3A_160 = arith.constant 1 : i32
    %add3A_161 = arith.addi %add3A_159, %add3A_160 : i32
    %broadcast_in_dim3A_162 = vector.broadcast %add3A_161 : i32 to vector<1024x128xi32>
    %ge3A_163 = arith.cmpf oge, %slice3A_149, %slice3A_150 : vector<1024x128xf32>
    %select_n3A_164 = arith.select %ge3A_163, %slice3A_149, %slice3A_150 : vector<1024x128xi1>, vector<1024x128xf32>
    %select_n3A_165 = arith.select %ge3A_163, %slice3A_150, %slice3A_149 : vector<1024x128xi1>, vector<1024x128xf32>
    %select_n3A_166 = arith.select %ge3A_163, %broadcast_in_dim3A_155, %broadcast_in_dim3A_162 : vector<1024x128xi1>, vector<1024x128xi32>
    %select_n3A_167 = arith.select %ge3A_163, %broadcast_in_dim3A_162, %broadcast_in_dim3A_155 : vector<1024x128xi1>, vector<1024x128xi32>
    %slice3A_168 = vector.extract_strided_slice %dot_general3A_148 {offsets = [0, 256], sizes = [1024, 128], strides = [1, 1]} : vector<1024x1280xf32> to vector<1024x128xf32>
    %slice3A_169 = vector.extract_strided_slice %dot_general3A_148 {offsets = [0, 384], sizes = [1024, 128], strides = [1, 1]} : vector<1024x1280xf32> to vector<1024x128xf32>
    %add3A_170 = arith.constant 10 : i32
    %add3A_171 = arith.addi %add3A_44, %add3A_170 : i32
    %add3A_172 = arith.constant 2 : i32
    %add3A_173 = arith.addi %add3A_171, %add3A_172 : i32
    %broadcast_in_dim3A_174 = vector.broadcast %add3A_173 : i32 to vector<1024x128xi32>
    %add3A_175 = arith.constant 10 : i32
    %add3A_176 = arith.addi %add3A_44, %add3A_175 : i32
    %add3A_177 = arith.constant 2 : i32
    %add3A_178 = arith.addi %add3A_176, %add3A_177 : i32
    %add3A_179 = arith.constant 1 : i32
    %add3A_180 = arith.addi %add3A_178, %add3A_179 : i32
    %broadcast_in_dim3A_181 = vector.broadcast %add3A_180 : i32 to vector<1024x128xi32>
    %ge3A_182 = arith.cmpf oge, %slice3A_168, %slice3A_169 : vector<1024x128xf32>
    %select_n3A_183 = arith.select %ge3A_182, %slice3A_168, %slice3A_169 : vector<1024x128xi1>, vector<1024x128xf32>
    %select_n3A_184 = arith.select %ge3A_182, %slice3A_169, %slice3A_168 : vector<1024x128xi1>, vector<1024x128xf32>
    %select_n3A_185 = arith.select %ge3A_182, %broadcast_in_dim3A_174, %broadcast_in_dim3A_181 : vector<1024x128xi1>, vector<1024x128xi32>
    %select_n3A_186 = arith.select %ge3A_182, %broadcast_in_dim3A_181, %broadcast_in_dim3A_174 : vector<1024x128xi1>, vector<1024x128xi32>
    %slice3A_187 = vector.extract_strided_slice %dot_general3A_148 {offsets = [0, 512], sizes = [1024, 128], strides = [1, 1]} : vector<1024x1280xf32> to vector<1024x128xf32>
    %slice3A_188 = vector.extract_strided_slice %dot_general3A_148 {offsets = [0, 640], sizes = [1024, 128], strides = [1, 1]} : vector<1024x1280xf32> to vector<1024x128xf32>
    %add3A_189 = arith.constant 10 : i32
    %add3A_190 = arith.addi %add3A_44, %add3A_189 : i32
    %add3A_191 = arith.constant 4 : i32
    %add3A_192 = arith.addi %add3A_190, %add3A_191 : i32
    %broadcast_in_dim3A_193 = vector.broadcast %add3A_192 : i32 to vector<1024x128xi32>
    %add3A_194 = arith.constant 10 : i32
    %add3A_195 = arith.addi %add3A_44, %add3A_194 : i32
    %add3A_196 = arith.constant 4 : i32
    %add3A_197 = arith.addi %add3A_195, %add3A_196 : i32
    %add3A_198 = arith.constant 1 : i32
    %add3A_199 = arith.addi %add3A_197, %add3A_198 : i32
    %broadcast_in_dim3A_200 = vector.broadcast %add3A_199 : i32 to vector<1024x128xi32>
    %ge3A_201 = arith.cmpf oge, %slice3A_187, %slice3A_188 : vector<1024x128xf32>
    %select_n3A_202 = arith.select %ge3A_201, %slice3A_187, %slice3A_188 : vector<1024x128xi1>, vector<1024x128xf32>
    %select_n3A_203 = arith.select %ge3A_201, %slice3A_188, %slice3A_187 : vector<1024x128xi1>, vector<1024x128xf32>
    %select_n3A_204 = arith.select %ge3A_201, %broadcast_in_dim3A_193, %broadcast_in_dim3A_200 : vector<1024x128xi1>, vector<1024x128xi32>
    %select_n3A_205 = arith.select %ge3A_201, %broadcast_in_dim3A_200, %broadcast_in_dim3A_193 : vector<1024x128xi1>, vector<1024x128xi32>
    %slice3A_206 = vector.extract_strided_slice %dot_general3A_148 {offsets = [0, 768], sizes = [1024, 128], strides = [1, 1]} : vector<1024x1280xf32> to vector<1024x128xf32>
    %slice3A_207 = vector.extract_strided_slice %dot_general3A_148 {offsets = [0, 896], sizes = [1024, 128], strides = [1, 1]} : vector<1024x1280xf32> to vector<1024x128xf32>
    %add3A_208 = arith.constant 10 : i32
    %add3A_209 = arith.addi %add3A_44, %add3A_208 : i32
    %add3A_210 = arith.constant 6 : i32
    %add3A_211 = arith.addi %add3A_209, %add3A_210 : i32
    %broadcast_in_dim3A_212 = vector.broadcast %add3A_211 : i32 to vector<1024x128xi32>
    %add3A_213 = arith.constant 10 : i32
    %add3A_214 = arith.addi %add3A_44, %add3A_213 : i32
    %add3A_215 = arith.constant 6 : i32
    %add3A_216 = arith.addi %add3A_214, %add3A_215 : i32
    %add3A_217 = arith.constant 1 : i32
    %add3A_218 = arith.addi %add3A_216, %add3A_217 : i32
    %broadcast_in_dim3A_219 = vector.broadcast %add3A_218 : i32 to vector<1024x128xi32>
    %ge3A_220 = arith.cmpf oge, %slice3A_206, %slice3A_207 : vector<1024x128xf32>
    %select_n3A_221 = arith.select %ge3A_220, %slice3A_206, %slice3A_207 : vector<1024x128xi1>, vector<1024x128xf32>
    %select_n3A_222 = arith.select %ge3A_220, %slice3A_207, %slice3A_206 : vector<1024x128xi1>, vector<1024x128xf32>
    %select_n3A_223 = arith.select %ge3A_220, %broadcast_in_dim3A_212, %broadcast_in_dim3A_219 : vector<1024x128xi1>, vector<1024x128xi32>
    %select_n3A_224 = arith.select %ge3A_220, %broadcast_in_dim3A_219, %broadcast_in_dim3A_212 : vector<1024x128xi1>, vector<1024x128xi32>
    %slice3A_225 = vector.extract_strided_slice %dot_general3A_148 {offsets = [0, 1024], sizes = [1024, 128], strides = [1, 1]} : vector<1024x1280xf32> to vector<1024x128xf32>
    %slice3A_226 = vector.extract_strided_slice %dot_general3A_148 {offsets = [0, 1152], sizes = [1024, 128], strides = [1, 1]} : vector<1024x1280xf32> to vector<1024x128xf32>
    %add3A_227 = arith.constant 10 : i32
    %add3A_228 = arith.addi %add3A_44, %add3A_227 : i32
    %add3A_229 = arith.constant 8 : i32
    %add3A_230 = arith.addi %add3A_228, %add3A_229 : i32
    %broadcast_in_dim3A_231 = vector.broadcast %add3A_230 : i32 to vector<1024x128xi32>
    %add3A_232 = arith.constant 10 : i32
    %add3A_233 = arith.addi %add3A_44, %add3A_232 : i32
    %add3A_234 = arith.constant 8 : i32
    %add3A_235 = arith.addi %add3A_233, %add3A_234 : i32
    %add3A_236 = arith.constant 1 : i32
    %add3A_237 = arith.addi %add3A_235, %add3A_236 : i32
    %broadcast_in_dim3A_238 = vector.broadcast %add3A_237 : i32 to vector<1024x128xi32>
    %ge3A_239 = arith.cmpf oge, %slice3A_225, %slice3A_226 : vector<1024x128xf32>
    %select_n3A_240 = arith.select %ge3A_239, %slice3A_225, %slice3A_226 : vector<1024x128xi1>, vector<1024x128xf32>
    %select_n3A_241 = arith.select %ge3A_239, %slice3A_226, %slice3A_225 : vector<1024x128xi1>, vector<1024x128xf32>
    %select_n3A_242 = arith.select %ge3A_239, %broadcast_in_dim3A_231, %broadcast_in_dim3A_238 : vector<1024x128xi1>, vector<1024x128xi32>
    %select_n3A_243 = arith.select %ge3A_239, %broadcast_in_dim3A_238, %broadcast_in_dim3A_231 : vector<1024x128xi1>, vector<1024x128xi32>
    %get3A_244 = arith.constant 0 : index
    %get3A_245 = arith.constant 0 : index
    %get3A_246 = vector.load %arg3[%get3A_244, %get3A_245] : memref<2560x384xf32, #tpu.memory_space<vmem>>, vector<2560x384xf32>
    %mul3A_247 = arith.mulf %get3A_246, %get3A_246 : vector<2560x384xf32>
    %reduce_sum3A_248 = arith.constant dense<0.000000e+00> : vector<2560xf32>
    %reduce_sum3A_249 = vector.multi_reduction <add>, %mul3A_247, %reduce_sum3A_248 [1] : vector<2560x384xf32> to vector<2560xf32>
    %broadcast_in_dim3A_250 = vector.shape_cast %reduce_sum3A_249 : vector<2560xf32> to vector<2560x1xf32>
    %sqrt3A_251 = math.sqrt %broadcast_in_dim3A_250 : vector<2560x1xf32>
    %add3A_252 = arith.constant 9.99999996E-13 : f32
    %add3A_253 = vector.broadcast %add3A_252 : f32 to vector<2560x1xf32>
    %add3A_254 = arith.addf %sqrt3A_251, %add3A_253 : vector<2560x1xf32>
    %div3A_255 = arith.constant 1.000000e+00 : f32
    %div3A_256 = vector.broadcast %div3A_255 : f32 to vector<2560x1xf32>
    %div3A_257 = arith.divf %div3A_256, %add3A_254 : vector<2560x1xf32>
    %iota3A_258 = tpu.iota {dimensions = array<i32: 0>} : vector<2560x1xi32>
    %mul3A_259 = arith.constant 5120 : i32
    %mul3A_260 = arith.muli %arg0, %mul3A_259 : i32
    %add3A_261 = vector.broadcast %mul3A_260 : i32 to vector<2560x1xi32>
    %add3A_262 = arith.addi %iota3A_258, %add3A_261 : vector<2560x1xi32>
    %add3A_263 = arith.constant 2560 : i32
    %add3A_264 = vector.broadcast %add3A_263 : i32 to vector<2560x1xi32>
    %add3A_265 = arith.addi %add3A_262, %add3A_264 : vector<2560x1xi32>
    %lt3A_266 = arith.constant 100000 : i32
    %lt3A_267 = vector.broadcast %lt3A_266 : i32 to vector<2560x1xi32>
    %lt3A_268 = arith.cmpi slt, %add3A_265, %lt3A_267 : vector<2560x1xi32>
    %mul3A_269 = vector.broadcast %div3A_257 : vector<2560x1xf32> to vector<2560x384xf32>
    %mul3A_270 = arith.mulf %get3A_246, %mul3A_269 : vector<2560x384xf32>
    %jit3A_271 = arith.constant 0.000000e+00 : f32
    %broadcast_in_dim3A_272 = vector.shape_cast %lt3A_268 : vector<2560x1xi1> to vector<2560x1xi1>
    %broadcast_in_dim3A_273 = vector.broadcast %broadcast_in_dim3A_272 : vector<2560x1xi1> to vector<2560x384xi1>
    %broadcast_in_dim3A_274 = vector.broadcast %jit3A_271 : f32 to vector<2560x384xf32>
    %select_n3A_275 = arith.select %broadcast_in_dim3A_273, %mul3A_270, %broadcast_in_dim3A_274 : vector<2560x384xi1>, vector<2560x384xf32>
    %mul3A_276 = arith.constant 40 : i32
    %mul3A_277 = arith.muli %arg0, %mul3A_276 : i32
    %add3A_278 = arith.constant 20 : i32
    %add3A_279 = arith.addi %mul3A_277, %add3A_278 : i32
    %get3A_280 = arith.constant 0 : index
    %get3A_281 = arith.constant 0 : index
    %get3A_282 = vector.load %arg1[%get3A_280, %get3A_281] : memref<1024x384xf32, #tpu.memory_space<vmem>>, vector<1024x384xf32>
    %slice3A_283 = vector.extract_strided_slice %select_n3A_275 {offsets = [0, 0], sizes = [1280, 384], strides = [1, 1]} : vector<2560x384xf32> to vector<1280x384xf32>
    %dot_general3A_284 = arith.constant dense<0.000000e+00> : vector<1024x1280xf32>
    %dot_general3A_285 = tpu.matmul %get3A_282, %slice3A_283, %dot_general3A_284 {dimension_numbers = #tpu.dot_dimension_numbers<[1], [1], [0], [0], [0, 0, 1, 0], [], []>, transpose_lhs_hint = false} : vector<1024x384xf32>, vector<1280x384xf32>, vector<1024x1280xf32> -> vector<1024x1280xf32>
    %slice3A_286 = vector.extract_strided_slice %dot_general3A_285 {offsets = [0, 0], sizes = [1024, 128], strides = [1, 1]} : vector<1024x1280xf32> to vector<1024x128xf32>
    %slice3A_287 = vector.extract_strided_slice %dot_general3A_285 {offsets = [0, 128], sizes = [1024, 128], strides = [1, 1]} : vector<1024x1280xf32> to vector<1024x128xf32>
    %add3A_288 = arith.constant 0 : i32
    %add3A_289 = arith.addi %add3A_279, %add3A_288 : i32
    %add3A_290 = arith.constant 0 : i32
    %add3A_291 = arith.addi %add3A_289, %add3A_290 : i32
    %broadcast_in_dim3A_292 = vector.broadcast %add3A_291 : i32 to vector<1024x128xi32>
    %add3A_293 = arith.constant 0 : i32
    %add3A_294 = arith.addi %add3A_279, %add3A_293 : i32
    %add3A_295 = arith.constant 0 : i32
    %add3A_296 = arith.addi %add3A_294, %add3A_295 : i32
    %add3A_297 = arith.constant 1 : i32
    %add3A_298 = arith.addi %add3A_296, %add3A_297 : i32
    %broadcast_in_dim3A_299 = vector.broadcast %add3A_298 : i32 to vector<1024x128xi32>
    %ge3A_300 = arith.cmpf oge, %slice3A_286, %slice3A_287 : vector<1024x128xf32>
    %select_n3A_301 = arith.select %ge3A_300, %slice3A_286, %slice3A_287 : vector<1024x128xi1>, vector<1024x128xf32>
    %select_n3A_302 = arith.select %ge3A_300, %slice3A_287, %slice3A_286 : vector<1024x128xi1>, vector<1024x128xf32>
    %select_n3A_303 = arith.select %ge3A_300, %broadcast_in_dim3A_292, %broadcast_in_dim3A_299 : vector<1024x128xi1>, vector<1024x128xi32>
    %select_n3A_304 = arith.select %ge3A_300, %broadcast_in_dim3A_299, %broadcast_in_dim3A_292 : vector<1024x128xi1>, vector<1024x128xi32>
    %slice3A_305 = vector.extract_strided_slice %dot_general3A_285 {offsets = [0, 256], sizes = [1024, 128], strides = [1, 1]} : vector<1024x1280xf32> to vector<1024x128xf32>
    %slice3A_306 = vector.extract_strided_slice %dot_general3A_285 {offsets = [0, 384], sizes = [1024, 128], strides = [1, 1]} : vector<1024x1280xf32> to vector<1024x128xf32>
    %add3A_307 = arith.constant 0 : i32
    %add3A_308 = arith.addi %add3A_279, %add3A_307 : i32
    %add3A_309 = arith.constant 2 : i32
    %add3A_310 = arith.addi %add3A_308, %add3A_309 : i32
    %broadcast_in_dim3A_311 = vector.broadcast %add3A_310 : i32 to vector<1024x128xi32>
    %add3A_312 = arith.constant 0 : i32
    %add3A_313 = arith.addi %add3A_279, %add3A_312 : i32
    %add3A_314 = arith.constant 2 : i32
    %add3A_315 = arith.addi %add3A_313, %add3A_314 : i32
    %add3A_316 = arith.constant 1 : i32
    %add3A_317 = arith.addi %add3A_315, %add3A_316 : i32
    %broadcast_in_dim3A_318 = vector.broadcast %add3A_317 : i32 to vector<1024x128xi32>
    %ge3A_319 = arith.cmpf oge, %slice3A_305, %slice3A_306 : vector<1024x128xf32>
    %select_n3A_320 = arith.select %ge3A_319, %slice3A_305, %slice3A_306 : vector<1024x128xi1>, vector<1024x128xf32>
    %select_n3A_321 = arith.select %ge3A_319, %slice3A_306, %slice3A_305 : vector<1024x128xi1>, vector<1024x128xf32>
    %select_n3A_322 = arith.select %ge3A_319, %broadcast_in_dim3A_311, %broadcast_in_dim3A_318 : vector<1024x128xi1>, vector<1024x128xi32>
    %select_n3A_323 = arith.select %ge3A_319, %broadcast_in_dim3A_318, %broadcast_in_dim3A_311 : vector<1024x128xi1>, vector<1024x128xi32>
    %slice3A_324 = vector.extract_strided_slice %dot_general3A_285 {offsets = [0, 512], sizes = [1024, 128], strides = [1, 1]} : vector<1024x1280xf32> to vector<1024x128xf32>
    %slice3A_325 = vector.extract_strided_slice %dot_general3A_285 {offsets = [0, 640], sizes = [1024, 128], strides = [1, 1]} : vector<1024x1280xf32> to vector<1024x128xf32>
    %add3A_326 = arith.constant 0 : i32
    %add3A_327 = arith.addi %add3A_279, %add3A_326 : i32
    %add3A_328 = arith.constant 4 : i32
    %add3A_329 = arith.addi %add3A_327, %add3A_328 : i32
    %broadcast_in_dim3A_330 = vector.broadcast %add3A_329 : i32 to vector<1024x128xi32>
    %add3A_331 = arith.constant 0 : i32
    %add3A_332 = arith.addi %add3A_279, %add3A_331 : i32
    %add3A_333 = arith.constant 4 : i32
    %add3A_334 = arith.addi %add3A_332, %add3A_333 : i32
    %add3A_335 = arith.constant 1 : i32
    %add3A_336 = arith.addi %add3A_334, %add3A_335 : i32
    %broadcast_in_dim3A_337 = vector.broadcast %add3A_336 : i32 to vector<1024x128xi32>
    %ge3A_338 = arith.cmpf oge, %slice3A_324, %slice3A_325 : vector<1024x128xf32>
    %select_n3A_339 = arith.select %ge3A_338, %slice3A_324, %slice3A_325 : vector<1024x128xi1>, vector<1024x128xf32>
    %select_n3A_340 = arith.select %ge3A_338, %slice3A_325, %slice3A_324 : vector<1024x128xi1>, vector<1024x128xf32>
    %select_n3A_341 = arith.select %ge3A_338, %broadcast_in_dim3A_330, %broadcast_in_dim3A_337 : vector<1024x128xi1>, vector<1024x128xi32>
    %select_n3A_342 = arith.select %ge3A_338, %broadcast_in_dim3A_337, %broadcast_in_dim3A_330 : vector<1024x128xi1>, vector<1024x128xi32>
    %slice3A_343 = vector.extract_strided_slice %dot_general3A_285 {offsets = [0, 768], sizes = [1024, 128], strides = [1, 1]} : vector<1024x1280xf32> to vector<1024x128xf32>
    %slice3A_344 = vector.extract_strided_slice %dot_general3A_285 {offsets = [0, 896], sizes = [1024, 128], strides = [1, 1]} : vector<1024x1280xf32> to vector<1024x128xf32>
    %add3A_345 = arith.constant 0 : i32
    %add3A_346 = arith.addi %add3A_279, %add3A_345 : i32
    %add3A_347 = arith.constant 6 : i32
    %add3A_348 = arith.addi %add3A_346, %add3A_347 : i32
    %broadcast_in_dim3A_349 = vector.broadcast %add3A_348 : i32 to vector<1024x128xi32>
    %add3A_350 = arith.constant 0 : i32
    %add3A_351 = arith.addi %add3A_279, %add3A_350 : i32
    %add3A_352 = arith.constant 6 : i32
    %add3A_353 = arith.addi %add3A_351, %add3A_352 : i32
    %add3A_354 = arith.constant 1 : i32
    %add3A_355 = arith.addi %add3A_353, %add3A_354 : i32
    %broadcast_in_dim3A_356 = vector.broadcast %add3A_355 : i32 to vector<1024x128xi32>
    %ge3A_357 = arith.cmpf oge, %slice3A_343, %slice3A_344 : vector<1024x128xf32>
    %select_n3A_358 = arith.select %ge3A_357, %slice3A_343, %slice3A_344 : vector<1024x128xi1>, vector<1024x128xf32>
    %select_n3A_359 = arith.select %ge3A_357, %slice3A_344, %slice3A_343 : vector<1024x128xi1>, vector<1024x128xf32>
    %select_n3A_360 = arith.select %ge3A_357, %broadcast_in_dim3A_349, %broadcast_in_dim3A_356 : vector<1024x128xi1>, vector<1024x128xi32>
    %select_n3A_361 = arith.select %ge3A_357, %broadcast_in_dim3A_356, %broadcast_in_dim3A_349 : vector<1024x128xi1>, vector<1024x128xi32>
    %slice3A_362 = vector.extract_strided_slice %dot_general3A_285 {offsets = [0, 1024], sizes = [1024, 128], strides = [1, 1]} : vector<1024x1280xf32> to vector<1024x128xf32>
    %slice3A_363 = vector.extract_strided_slice %dot_general3A_285 {offsets = [0, 1152], sizes = [1024, 128], strides = [1, 1]} : vector<1024x1280xf32> to vector<1024x128xf32>
    %add3A_364 = arith.constant 0 : i32
    %add3A_365 = arith.addi %add3A_279, %add3A_364 : i32
    %add3A_366 = arith.constant 8 : i32
    %add3A_367 = arith.addi %add3A_365, %add3A_366 : i32
    %broadcast_in_dim3A_368 = vector.broadcast %add3A_367 : i32 to vector<1024x128xi32>
    %add3A_369 = arith.constant 0 : i32
    %add3A_370 = arith.addi %add3A_279, %add3A_369 : i32
    %add3A_371 = arith.constant 8 : i32
    %add3A_372 = arith.addi %add3A_370, %add3A_371 : i32
    %add3A_373 = arith.constant 1 : i32
    %add3A_374 = arith.addi %add3A_372, %add3A_373 : i32
    %broadcast_in_dim3A_375 = vector.broadcast %add3A_374 : i32 to vector<1024x128xi32>
    %ge3A_376 = arith.cmpf oge, %slice3A_362, %slice3A_363 : vector<1024x128xf32>
    %select_n3A_377 = arith.select %ge3A_376, %slice3A_362, %slice3A_363 : vector<1024x128xi1>, vector<1024x128xf32>
    %select_n3A_378 = arith.select %ge3A_376, %slice3A_363, %slice3A_362 : vector<1024x128xi1>, vector<1024x128xf32>
    %select_n3A_379 = arith.select %ge3A_376, %broadcast_in_dim3A_368, %broadcast_in_dim3A_375 : vector<1024x128xi1>, vector<1024x128xi32>
    %select_n3A_380 = arith.select %ge3A_376, %broadcast_in_dim3A_375, %broadcast_in_dim3A_368 : vector<1024x128xi1>, vector<1024x128xi32>
    %get3A_381 = arith.constant 0 : index
    %get3A_382 = arith.constant 0 : index
    %get3A_383 = vector.load %arg1[%get3A_381, %get3A_382] : memref<1024x384xf32, #tpu.memory_space<vmem>>, vector<1024x384xf32>
    %slice3A_384 = vector.extract_strided_slice %select_n3A_275 {offsets = [1280, 0], sizes = [1280, 384], strides = [1, 1]} : vector<2560x384xf32> to vector<1280x384xf32>
    %dot_general3A_385 = arith.constant dense<0.000000e+00> : vector<1024x1280xf32>
    %dot_general3A_386 = tpu.matmul %get3A_383, %slice3A_384, %dot_general3A_385 {dimension_numbers = #tpu.dot_dimension_numbers<[1], [1], [0], [0], [0, 0, 1, 0], [], []>, transpose_lhs_hint = false} : vector<1024x384xf32>, vector<1280x384xf32>, vector<1024x1280xf32> -> vector<1024x1280xf32>
    %slice3A_387 = vector.extract_strided_slice %dot_general3A_386 {offsets = [0, 0], sizes = [1024, 128], strides = [1, 1]} : vector<1024x1280xf32> to vector<1024x128xf32>
    %slice3A_388 = vector.extract_strided_slice %dot_general3A_386 {offsets = [0, 128], sizes = [1024, 128], strides = [1, 1]} : vector<1024x1280xf32> to vector<1024x128xf32>
    %add3A_389 = arith.constant 10 : i32
    %add3A_390 = arith.addi %add3A_279, %add3A_389 : i32
    %add3A_391 = arith.constant 0 : i32
    %add3A_392 = arith.addi %add3A_390, %add3A_391 : i32
    %broadcast_in_dim3A_393 = vector.broadcast %add3A_392 : i32 to vector<1024x128xi32>
    %add3A_394 = arith.constant 10 : i32
    %add3A_395 = arith.addi %add3A_279, %add3A_394 : i32
    %add3A_396 = arith.constant 0 : i32
    %add3A_397 = arith.addi %add3A_395, %add3A_396 : i32
    %add3A_398 = arith.constant 1 : i32
    %add3A_399 = arith.addi %add3A_397, %add3A_398 : i32
    %broadcast_in_dim3A_400 = vector.broadcast %add3A_399 : i32 to vector<1024x128xi32>
    %ge3A_401 = arith.cmpf oge, %slice3A_387, %slice3A_388 : vector<1024x128xf32>
    %select_n3A_402 = arith.select %ge3A_401, %slice3A_387, %slice3A_388 : vector<1024x128xi1>, vector<1024x128xf32>
    %select_n3A_403 = arith.select %ge3A_401, %slice3A_388, %slice3A_387 : vector<1024x128xi1>, vector<1024x128xf32>
    %select_n3A_404 = arith.select %ge3A_401, %broadcast_in_dim3A_393, %broadcast_in_dim3A_400 : vector<1024x128xi1>, vector<1024x128xi32>
    %select_n3A_405 = arith.select %ge3A_401, %broadcast_in_dim3A_400, %broadcast_in_dim3A_393 : vector<1024x128xi1>, vector<1024x128xi32>
    %slice3A_406 = vector.extract_strided_slice %dot_general3A_386 {offsets = [0, 256], sizes = [1024, 128], strides = [1, 1]} : vector<1024x1280xf32> to vector<1024x128xf32>
    %slice3A_407 = vector.extract_strided_slice %dot_general3A_386 {offsets = [0, 384], sizes = [1024, 128], strides = [1, 1]} : vector<1024x1280xf32> to vector<1024x128xf32>
    %add3A_408 = arith.constant 10 : i32
    %add3A_409 = arith.addi %add3A_279, %add3A_408 : i32
    %add3A_410 = arith.constant 2 : i32
    %add3A_411 = arith.addi %add3A_409, %add3A_410 : i32
    %broadcast_in_dim3A_412 = vector.broadcast %add3A_411 : i32 to vector<1024x128xi32>
    %add3A_413 = arith.constant 10 : i32
    %add3A_414 = arith.addi %add3A_279, %add3A_413 : i32
    %add3A_415 = arith.constant 2 : i32
    %add3A_416 = arith.addi %add3A_414, %add3A_415 : i32
    %add3A_417 = arith.constant 1 : i32
    %add3A_418 = arith.addi %add3A_416, %add3A_417 : i32
    %broadcast_in_dim3A_419 = vector.broadcast %add3A_418 : i32 to vector<1024x128xi32>
    %ge3A_420 = arith.cmpf oge, %slice3A_406, %slice3A_407 : vector<1024x128xf32>
    %select_n3A_421 = arith.select %ge3A_420, %slice3A_406, %slice3A_407 : vector<1024x128xi1>, vector<1024x128xf32>
    %select_n3A_422 = arith.select %ge3A_420, %slice3A_407, %slice3A_406 : vector<1024x128xi1>, vector<1024x128xf32>
    %select_n3A_423 = arith.select %ge3A_420, %broadcast_in_dim3A_412, %broadcast_in_dim3A_419 : vector<1024x128xi1>, vector<1024x128xi32>
    %select_n3A_424 = arith.select %ge3A_420, %broadcast_in_dim3A_419, %broadcast_in_dim3A_412 : vector<1024x128xi1>, vector<1024x128xi32>
    %slice3A_425 = vector.extract_strided_slice %dot_general3A_386 {offsets = [0, 512], sizes = [1024, 128], strides = [1, 1]} : vector<1024x1280xf32> to vector<1024x128xf32>
    %slice3A_426 = vector.extract_strided_slice %dot_general3A_386 {offsets = [0, 640], sizes = [1024, 128], strides = [1, 1]} : vector<1024x1280xf32> to vector<1024x128xf32>
    %add3A_427 = arith.constant 10 : i32
    %add3A_428 = arith.addi %add3A_279, %add3A_427 : i32
    %add3A_429 = arith.constant 4 : i32
    %add3A_430 = arith.addi %add3A_428, %add3A_429 : i32
    %broadcast_in_dim3A_431 = vector.broadcast %add3A_430 : i32 to vector<1024x128xi32>
    %add3A_432 = arith.constant 10 : i32
    %add3A_433 = arith.addi %add3A_279, %add3A_432 : i32
    %add3A_434 = arith.constant 4 : i32
    %add3A_435 = arith.addi %add3A_433, %add3A_434 : i32
    %add3A_436 = arith.constant 1 : i32
    %add3A_437 = arith.addi %add3A_435, %add3A_436 : i32
    %broadcast_in_dim3A_438 = vector.broadcast %add3A_437 : i32 to vector<1024x128xi32>
    %ge3A_439 = arith.cmpf oge, %slice3A_425, %slice3A_426 : vector<1024x128xf32>
    %select_n3A_440 = arith.select %ge3A_439, %slice3A_425, %slice3A_426 : vector<1024x128xi1>, vector<1024x128xf32>
    %select_n3A_441 = arith.select %ge3A_439, %slice3A_426, %slice3A_425 : vector<1024x128xi1>, vector<1024x128xf32>
    %select_n3A_442 = arith.select %ge3A_439, %broadcast_in_dim3A_431, %broadcast_in_dim3A_438 : vector<1024x128xi1>, vector<1024x128xi32>
    %select_n3A_443 = arith.select %ge3A_439, %broadcast_in_dim3A_438, %broadcast_in_dim3A_431 : vector<1024x128xi1>, vector<1024x128xi32>
    %slice3A_444 = vector.extract_strided_slice %dot_general3A_386 {offsets = [0, 768], sizes = [1024, 128], strides = [1, 1]} : vector<1024x1280xf32> to vector<1024x128xf32>
    %slice3A_445 = vector.extract_strided_slice %dot_general3A_386 {offsets = [0, 896], sizes = [1024, 128], strides = [1, 1]} : vector<1024x1280xf32> to vector<1024x128xf32>
    %add3A_446 = arith.constant 10 : i32
    %add3A_447 = arith.addi %add3A_279, %add3A_446 : i32
    %add3A_448 = arith.constant 6 : i32
    %add3A_449 = arith.addi %add3A_447, %add3A_448 : i32
    %broadcast_in_dim3A_450 = vector.broadcast %add3A_449 : i32 to vector<1024x128xi32>
    %add3A_451 = arith.constant 10 : i32
    %add3A_452 = arith.addi %add3A_279, %add3A_451 : i32
    %add3A_453 = arith.constant 6 : i32
    %add3A_454 = arith.addi %add3A_452, %add3A_453 : i32
    %add3A_455 = arith.constant 1 : i32
    %add3A_456 = arith.addi %add3A_454, %add3A_455 : i32
    %broadcast_in_dim3A_457 = vector.broadcast %add3A_456 : i32 to vector<1024x128xi32>
    %ge3A_458 = arith.cmpf oge, %slice3A_444, %slice3A_445 : vector<1024x128xf32>
    %select_n3A_459 = arith.select %ge3A_458, %slice3A_444, %slice3A_445 : vector<1024x128xi1>, vector<1024x128xf32>
    %select_n3A_460 = arith.select %ge3A_458, %slice3A_445, %slice3A_444 : vector<1024x128xi1>, vector<1024x128xf32>
    %select_n3A_461 = arith.select %ge3A_458, %broadcast_in_dim3A_450, %broadcast_in_dim3A_457 : vector<1024x128xi1>, vector<1024x128xi32>
    %select_n3A_462 = arith.select %ge3A_458, %broadcast_in_dim3A_457, %broadcast_in_dim3A_450 : vector<1024x128xi1>, vector<1024x128xi32>
    %slice3A_463 = vector.extract_strided_slice %dot_general3A_386 {offsets = [0, 1024], sizes = [1024, 128], strides = [1, 1]} : vector<1024x1280xf32> to vector<1024x128xf32>
    %slice3A_464 = vector.extract_strided_slice %dot_general3A_386 {offsets = [0, 1152], sizes = [1024, 128], strides = [1, 1]} : vector<1024x1280xf32> to vector<1024x128xf32>
    %add3A_465 = arith.constant 10 : i32
    %add3A_466 = arith.addi %add3A_279, %add3A_465 : i32
    %add3A_467 = arith.constant 8 : i32
    %add3A_468 = arith.addi %add3A_466, %add3A_467 : i32
    %broadcast_in_dim3A_469 = vector.broadcast %add3A_468 : i32 to vector<1024x128xi32>
    %add3A_470 = arith.constant 10 : i32
    %add3A_471 = arith.addi %add3A_279, %add3A_470 : i32
    %add3A_472 = arith.constant 8 : i32
    %add3A_473 = arith.addi %add3A_471, %add3A_472 : i32
    %add3A_474 = arith.constant 1 : i32
    %add3A_475 = arith.addi %add3A_473, %add3A_474 : i32
    %broadcast_in_dim3A_476 = vector.broadcast %add3A_475 : i32 to vector<1024x128xi32>
    %ge3A_477 = arith.cmpf oge, %slice3A_463, %slice3A_464 : vector<1024x128xf32>
    %select_n3A_478 = arith.select %ge3A_477, %slice3A_463, %slice3A_464 : vector<1024x128xi1>, vector<1024x128xf32>
    %select_n3A_479 = arith.select %ge3A_477, %slice3A_464, %slice3A_463 : vector<1024x128xi1>, vector<1024x128xf32>
    %select_n3A_480 = arith.select %ge3A_477, %broadcast_in_dim3A_469, %broadcast_in_dim3A_476 : vector<1024x128xi1>, vector<1024x128xi32>
    %select_n3A_481 = arith.select %ge3A_477, %broadcast_in_dim3A_476, %broadcast_in_dim3A_469 : vector<1024x128xi1>, vector<1024x128xi32>
    %ge3A_482 = arith.cmpf oge, %select_n3A_63, %select_n3A_82 : vector<1024x128xf32>
    %select_n3A_483 = arith.select %ge3A_482, %select_n3A_63, %select_n3A_82 : vector<1024x128xi1>, vector<1024x128xf32>
    %select_n3A_484 = arith.select %ge3A_482, %select_n3A_65, %select_n3A_84 : vector<1024x128xi1>, vector<1024x128xi32>
    %select_n3A_485 = arith.select %ge3A_482, %select_n3A_82, %select_n3A_63 : vector<1024x128xi1>, vector<1024x128xf32>
    %select_n3A_486 = arith.select %ge3A_482, %select_n3A_84, %select_n3A_65 : vector<1024x128xi1>, vector<1024x128xi32>
    %select_n3A_487 = arith.select %ge3A_482, %select_n3A_64, %select_n3A_83 : vector<1024x128xi1>, vector<1024x128xf32>
    %select_n3A_488 = arith.select %ge3A_482, %select_n3A_66, %select_n3A_85 : vector<1024x128xi1>, vector<1024x128xi32>
    %gt3A = arith.cmpf ogt, %select_n3A_485, %select_n3A_487 : vector<1024x128xf32>
    %select_n3A_489 = arith.select %gt3A, %select_n3A_485, %select_n3A_487 : vector<1024x128xi1>, vector<1024x128xf32>
    %select_n3A_490 = arith.select %gt3A, %select_n3A_486, %select_n3A_488 : vector<1024x128xi1>, vector<1024x128xi32>
    %ge3A_491 = arith.cmpf oge, %select_n3A_101, %select_n3A_120 : vector<1024x128xf32>
    %select_n3A_492 = arith.select %ge3A_491, %select_n3A_101, %select_n3A_120 : vector<1024x128xi1>, vector<1024x128xf32>
    %select_n3A_493 = arith.select %ge3A_491, %select_n3A_103, %select_n3A_122 : vector<1024x128xi1>, vector<1024x128xi32>
    %select_n3A_494 = arith.select %ge3A_491, %select_n3A_120, %select_n3A_101 : vector<1024x128xi1>, vector<1024x128xf32>
    %select_n3A_495 = arith.select %ge3A_491, %select_n3A_122, %select_n3A_103 : vector<1024x128xi1>, vector<1024x128xi32>
    %select_n3A_496 = arith.select %ge3A_491, %select_n3A_102, %select_n3A_121 : vector<1024x128xi1>, vector<1024x128xf32>
    %select_n3A_497 = arith.select %ge3A_491, %select_n3A_104, %select_n3A_123 : vector<1024x128xi1>, vector<1024x128xi32>
    %gt3A_498 = arith.cmpf ogt, %select_n3A_494, %select_n3A_496 : vector<1024x128xf32>
    %select_n3A_499 = arith.select %gt3A_498, %select_n3A_494, %select_n3A_496 : vector<1024x128xi1>, vector<1024x128xf32>
    %select_n3A_500 = arith.select %gt3A_498, %select_n3A_495, %select_n3A_497 : vector<1024x128xi1>, vector<1024x128xi32>
    %ge3A_501 = arith.cmpf oge, %select_n3A_139, %select_n3A_164 : vector<1024x128xf32>
    %select_n3A_502 = arith.select %ge3A_501, %select_n3A_139, %select_n3A_164 : vector<1024x128xi1>, vector<1024x128xf32>
    %select_n3A_503 = arith.select %ge3A_501, %select_n3A_141, %select_n3A_166 : vector<1024x128xi1>, vector<1024x128xi32>
    %select_n3A_504 = arith.select %ge3A_501, %select_n3A_164, %select_n3A_139 : vector<1024x128xi1>, vector<1024x128xf32>
    %select_n3A_505 = arith.select %ge3A_501, %select_n3A_166, %select_n3A_141 : vector<1024x128xi1>, vector<1024x128xi32>
    %select_n3A_506 = arith.select %ge3A_501, %select_n3A_140, %select_n3A_165 : vector<1024x128xi1>, vector<1024x128xf32>
    %select_n3A_507 = arith.select %ge3A_501, %select_n3A_142, %select_n3A_167 : vector<1024x128xi1>, vector<1024x128xi32>
    %gt3A_508 = arith.cmpf ogt, %select_n3A_504, %select_n3A_506 : vector<1024x128xf32>
    %select_n3A_509 = arith.select %gt3A_508, %select_n3A_504, %select_n3A_506 : vector<1024x128xi1>, vector<1024x128xf32>
    %select_n3A_510 = arith.select %gt3A_508, %select_n3A_505, %select_n3A_507 : vector<1024x128xi1>, vector<1024x128xi32>
    %ge3A_511 = arith.cmpf oge, %select_n3A_183, %select_n3A_202 : vector<1024x128xf32>
    %select_n3A_512 = arith.select %ge3A_511, %select_n3A_183, %select_n3A_202 : vector<1024x128xi1>, vector<1024x128xf32>
    %select_n3A_513 = arith.select %ge3A_511, %select_n3A_185, %select_n3A_204 : vector<1024x128xi1>, vector<1024x128xi32>
    %select_n3A_514 = arith.select %ge3A_511, %select_n3A_202, %select_n3A_183 : vector<1024x128xi1>, vector<1024x128xf32>
    %select_n3A_515 = arith.select %ge3A_511, %select_n3A_204, %select_n3A_185 : vector<1024x128xi1>, vector<1024x128xi32>
    %select_n3A_516 = arith.select %ge3A_511, %select_n3A_184, %select_n3A_203 : vector<1024x128xi1>, vector<1024x128xf32>
    %select_n3A_517 = arith.select %ge3A_511, %select_n3A_186, %select_n3A_205 : vector<1024x128xi1>, vector<1024x128xi32>
    %gt3A_518 = arith.cmpf ogt, %select_n3A_514, %select_n3A_516 : vector<1024x128xf32>
    %select_n3A_519 = arith.select %gt3A_518, %select_n3A_514, %select_n3A_516 : vector<1024x128xi1>, vector<1024x128xf32>
    %select_n3A_520 = arith.select %gt3A_518, %select_n3A_515, %select_n3A_517 : vector<1024x128xi1>, vector<1024x128xi32>
    %ge3A_521 = arith.cmpf oge, %select_n3A_221, %select_n3A_240 : vector<1024x128xf32>
    %select_n3A_522 = arith.select %ge3A_521, %select_n3A_221, %select_n3A_240 : vector<1024x128xi1>, vector<1024x128xf32>
    %select_n3A_523 = arith.select %ge3A_521, %select_n3A_223, %select_n3A_242 : vector<1024x128xi1>, vector<1024x128xi32>
    %select_n3A_524 = arith.select %ge3A_521, %select_n3A_240, %select_n3A_221 : vector<1024x128xi1>, vector<1024x128xf32>
    %select_n3A_525 = arith.select %ge3A_521, %select_n3A_242, %select_n3A_223 : vector<1024x128xi1>, vector<1024x128xi32>
    %select_n3A_526 = arith.select %ge3A_521, %select_n3A_222, %select_n3A_241 : vector<1024x128xi1>, vector<1024x128xf32>
    %select_n3A_527 = arith.select %ge3A_521, %select_n3A_224, %select_n3A_243 : vector<1024x128xi1>, vector<1024x128xi32>
    %gt3A_528 = arith.cmpf ogt, %select_n3A_524, %select_n3A_526 : vector<1024x128xf32>
    %select_n3A_529 = arith.select %gt3A_528, %select_n3A_524, %select_n3A_526 : vector<1024x128xi1>, vector<1024x128xf32>
    %select_n3A_530 = arith.select %gt3A_528, %select_n3A_525, %select_n3A_527 : vector<1024x128xi1>, vector<1024x128xi32>
    %ge3A_531 = arith.cmpf oge, %select_n3A_301, %select_n3A_320 : vector<1024x128xf32>
    %select_n3A_532 = arith.select %ge3A_531, %select_n3A_301, %select_n3A_320 : vector<1024x128xi1>, vector<1024x128xf32>
    %select_n3A_533 = arith.select %ge3A_531, %select_n3A_303, %select_n3A_322 : vector<1024x128xi1>, vector<1024x128xi32>
    %select_n3A_534 = arith.select %ge3A_531, %select_n3A_320, %select_n3A_301 : vector<1024x128xi1>, vector<1024x128xf32>
    %select_n3A_535 = arith.select %ge3A_531, %select_n3A_322, %select_n3A_303 : vector<1024x128xi1>, vector<1024x128xi32>
    %select_n3A_536 = arith.select %ge3A_531, %select_n3A_302, %select_n3A_321 : vector<1024x128xi1>, vector<1024x128xf32>
    %select_n3A_537 = arith.select %ge3A_531, %select_n3A_304, %select_n3A_323 : vector<1024x128xi1>, vector<1024x128xi32>
    %gt3A_538 = arith.cmpf ogt, %select_n3A_534, %select_n3A_536 : vector<1024x128xf32>
    %select_n3A_539 = arith.select %gt3A_538, %select_n3A_534, %select_n3A_536 : vector<1024x128xi1>, vector<1024x128xf32>
    %select_n3A_540 = arith.select %gt3A_538, %select_n3A_535, %select_n3A_537 : vector<1024x128xi1>, vector<1024x128xi32>
    %ge3A_541 = arith.cmpf oge, %select_n3A_339, %select_n3A_358 : vector<1024x128xf32>
    %select_n3A_542 = arith.select %ge3A_541, %select_n3A_339, %select_n3A_358 : vector<1024x128xi1>, vector<1024x128xf32>
    %select_n3A_543 = arith.select %ge3A_541, %select_n3A_341, %select_n3A_360 : vector<1024x128xi1>, vector<1024x128xi32>
    %select_n3A_544 = arith.select %ge3A_541, %select_n3A_358, %select_n3A_339 : vector<1024x128xi1>, vector<1024x128xf32>
    %select_n3A_545 = arith.select %ge3A_541, %select_n3A_360, %select_n3A_341 : vector<1024x128xi1>, vector<1024x128xi32>
    %select_n3A_546 = arith.select %ge3A_541, %select_n3A_340, %select_n3A_359 : vector<1024x128xi1>, vector<1024x128xf32>
    %select_n3A_547 = arith.select %ge3A_541, %select_n3A_342, %select_n3A_361 : vector<1024x128xi1>, vector<1024x128xi32>
    %gt3A_548 = arith.cmpf ogt, %select_n3A_544, %select_n3A_546 : vector<1024x128xf32>
    %select_n3A_549 = arith.select %gt3A_548, %select_n3A_544, %select_n3A_546 : vector<1024x128xi1>, vector<1024x128xf32>
    %select_n3A_550 = arith.select %gt3A_548, %select_n3A_545, %select_n3A_547 : vector<1024x128xi1>, vector<1024x128xi32>
    %ge3A_551 = arith.cmpf oge, %select_n3A_377, %select_n3A_402 : vector<1024x128xf32>
    %select_n3A_552 = arith.select %ge3A_551, %select_n3A_377, %select_n3A_402 : vector<1024x128xi1>, vector<1024x128xf32>
    %select_n3A_553 = arith.select %ge3A_551, %select_n3A_379, %select_n3A_404 : vector<1024x128xi1>, vector<1024x128xi32>
    %select_n3A_554 = arith.select %ge3A_551, %select_n3A_402, %select_n3A_377 : vector<1024x128xi1>, vector<1024x128xf32>
    %select_n3A_555 = arith.select %ge3A_551, %select_n3A_404, %select_n3A_379 : vector<1024x128xi1>, vector<1024x128xi32>
    %select_n3A_556 = arith.select %ge3A_551, %select_n3A_378, %select_n3A_403 : vector<1024x128xi1>, vector<1024x128xf32>
    %select_n3A_557 = arith.select %ge3A_551, %select_n3A_380, %select_n3A_405 : vector<1024x128xi1>, vector<1024x128xi32>
    %gt3A_558 = arith.cmpf ogt, %select_n3A_554, %select_n3A_556 : vector<1024x128xf32>
    %select_n3A_559 = arith.select %gt3A_558, %select_n3A_554, %select_n3A_556 : vector<1024x128xi1>, vector<1024x128xf32>
    %select_n3A_560 = arith.select %gt3A_558, %select_n3A_555, %select_n3A_557 : vector<1024x128xi1>, vector<1024x128xi32>
    %ge3A_561 = arith.cmpf oge, %select_n3A_421, %select_n3A_440 : vector<1024x128xf32>
    %select_n3A_562 = arith.select %ge3A_561, %select_n3A_421, %select_n3A_440 : vector<1024x128xi1>, vector<1024x128xf32>
    %select_n3A_563 = arith.select %ge3A_561, %select_n3A_423, %select_n3A_442 : vector<1024x128xi1>, vector<1024x128xi32>
    %select_n3A_564 = arith.select %ge3A_561, %select_n3A_440, %select_n3A_421 : vector<1024x128xi1>, vector<1024x128xf32>
    %select_n3A_565 = arith.select %ge3A_561, %select_n3A_442, %select_n3A_423 : vector<1024x128xi1>, vector<1024x128xi32>
    %select_n3A_566 = arith.select %ge3A_561, %select_n3A_422, %select_n3A_441 : vector<1024x128xi1>, vector<1024x128xf32>
    %select_n3A_567 = arith.select %ge3A_561, %select_n3A_424, %select_n3A_443 : vector<1024x128xi1>, vector<1024x128xi32>
    %gt3A_568 = arith.cmpf ogt, %select_n3A_564, %select_n3A_566 : vector<1024x128xf32>
    %select_n3A_569 = arith.select %gt3A_568, %select_n3A_564, %select_n3A_566 : vector<1024x128xi1>, vector<1024x128xf32>
    %select_n3A_570 = arith.select %gt3A_568, %select_n3A_565, %select_n3A_567 : vector<1024x128xi1>, vector<1024x128xi32>
    %ge3A_571 = arith.cmpf oge, %select_n3A_459, %select_n3A_478 : vector<1024x128xf32>
    %select_n3A_572 = arith.select %ge3A_571, %select_n3A_459, %select_n3A_478 : vector<1024x128xi1>, vector<1024x128xf32>
    %select_n3A_573 = arith.select %ge3A_571, %select_n3A_461, %select_n3A_480 : vector<1024x128xi1>, vector<1024x128xi32>
    %select_n3A_574 = arith.select %ge3A_571, %select_n3A_478, %select_n3A_459 : vector<1024x128xi1>, vector<1024x128xf32>
    %select_n3A_575 = arith.select %ge3A_571, %select_n3A_480, %select_n3A_461 : vector<1024x128xi1>, vector<1024x128xi32>
    %select_n3A_576 = arith.select %ge3A_571, %select_n3A_460, %select_n3A_479 : vector<1024x128xi1>, vector<1024x128xf32>
    %select_n3A_577 = arith.select %ge3A_571, %select_n3A_462, %select_n3A_481 : vector<1024x128xi1>, vector<1024x128xi32>
    %gt3A_578 = arith.cmpf ogt, %select_n3A_574, %select_n3A_576 : vector<1024x128xf32>
    %select_n3A_579 = arith.select %gt3A_578, %select_n3A_574, %select_n3A_576 : vector<1024x128xi1>, vector<1024x128xf32>
    %select_n3A_580 = arith.select %gt3A_578, %select_n3A_575, %select_n3A_577 : vector<1024x128xi1>, vector<1024x128xi32>
    %ge3A_581 = arith.cmpf oge, %select_n3A_483, %select_n3A_492 : vector<1024x128xf32>
    %select_n3A_582 = arith.select %ge3A_581, %select_n3A_483, %select_n3A_492 : vector<1024x128xi1>, vector<1024x128xf32>
    %select_n3A_583 = arith.select %ge3A_581, %select_n3A_484, %select_n3A_493 : vector<1024x128xi1>, vector<1024x128xi32>
    %select_n3A_584 = arith.select %ge3A_581, %select_n3A_492, %select_n3A_483 : vector<1024x128xi1>, vector<1024x128xf32>
    %select_n3A_585 = arith.select %ge3A_581, %select_n3A_493, %select_n3A_484 : vector<1024x128xi1>, vector<1024x128xi32>
    %select_n3A_586 = arith.select %ge3A_581, %select_n3A_489, %select_n3A_499 : vector<1024x128xi1>, vector<1024x128xf32>
    %select_n3A_587 = arith.select %ge3A_581, %select_n3A_490, %select_n3A_500 : vector<1024x128xi1>, vector<1024x128xi32>
    %gt3A_588 = arith.cmpf ogt, %select_n3A_584, %select_n3A_586 : vector<1024x128xf32>
    %select_n3A_589 = arith.select %gt3A_588, %select_n3A_584, %select_n3A_586 : vector<1024x128xi1>, vector<1024x128xf32>
    %select_n3A_590 = arith.select %gt3A_588, %select_n3A_585, %select_n3A_587 : vector<1024x128xi1>, vector<1024x128xi32>
    %ge3A_591 = arith.cmpf oge, %select_n3A_502, %select_n3A_512 : vector<1024x128xf32>
    %select_n3A_592 = arith.select %ge3A_591, %select_n3A_502, %select_n3A_512 : vector<1024x128xi1>, vector<1024x128xf32>
    %select_n3A_593 = arith.select %ge3A_591, %select_n3A_503, %select_n3A_513 : vector<1024x128xi1>, vector<1024x128xi32>
    %select_n3A_594 = arith.select %ge3A_591, %select_n3A_512, %select_n3A_502 : vector<1024x128xi1>, vector<1024x128xf32>
    %select_n3A_595 = arith.select %ge3A_591, %select_n3A_513, %select_n3A_503 : vector<1024x128xi1>, vector<1024x128xi32>
    %select_n3A_596 = arith.select %ge3A_591, %select_n3A_509, %select_n3A_519 : vector<1024x128xi1>, vector<1024x128xf32>
    %select_n3A_597 = arith.select %ge3A_591, %select_n3A_510, %select_n3A_520 : vector<1024x128xi1>, vector<1024x128xi32>
    %gt3A_598 = arith.cmpf ogt, %select_n3A_594, %select_n3A_596 : vector<1024x128xf32>
    %select_n3A_599 = arith.select %gt3A_598, %select_n3A_594, %select_n3A_596 : vector<1024x128xi1>, vector<1024x128xf32>
    %select_n3A_600 = arith.select %gt3A_598, %select_n3A_595, %select_n3A_597 : vector<1024x128xi1>, vector<1024x128xi32>
    %ge3A_601 = arith.cmpf oge, %select_n3A_522, %select_n3A_532 : vector<1024x128xf32>
    %select_n3A_602 = arith.select %ge3A_601, %select_n3A_522, %select_n3A_532 : vector<1024x128xi1>, vector<1024x128xf32>
    %select_n3A_603 = arith.select %ge3A_601, %select_n3A_523, %select_n3A_533 : vector<1024x128xi1>, vector<1024x128xi32>
    %select_n3A_604 = arith.select %ge3A_601, %select_n3A_532, %select_n3A_522 : vector<1024x128xi1>, vector<1024x128xf32>
    %select_n3A_605 = arith.select %ge3A_601, %select_n3A_533, %select_n3A_523 : vector<1024x128xi1>, vector<1024x128xi32>
    %select_n3A_606 = arith.select %ge3A_601, %select_n3A_529, %select_n3A_539 : vector<1024x128xi1>, vector<1024x128xf32>
    %select_n3A_607 = arith.select %ge3A_601, %select_n3A_530, %select_n3A_540 : vector<1024x128xi1>, vector<1024x128xi32>
    %gt3A_608 = arith.cmpf ogt, %select_n3A_604, %select_n3A_606 : vector<1024x128xf32>
    %select_n3A_609 = arith.select %gt3A_608, %select_n3A_604, %select_n3A_606 : vector<1024x128xi1>, vector<1024x128xf32>
    %select_n3A_610 = arith.select %gt3A_608, %select_n3A_605, %select_n3A_607 : vector<1024x128xi1>, vector<1024x128xi32>
    %ge3A_611 = arith.cmpf oge, %select_n3A_542, %select_n3A_552 : vector<1024x128xf32>
    %select_n3A_612 = arith.select %ge3A_611, %select_n3A_542, %select_n3A_552 : vector<1024x128xi1>, vector<1024x128xf32>
    %select_n3A_613 = arith.select %ge3A_611, %select_n3A_543, %select_n3A_553 : vector<1024x128xi1>, vector<1024x128xi32>
    %select_n3A_614 = arith.select %ge3A_611, %select_n3A_552, %select_n3A_542 : vector<1024x128xi1>, vector<1024x128xf32>
    %select_n3A_615 = arith.select %ge3A_611, %select_n3A_553, %select_n3A_543 : vector<1024x128xi1>, vector<1024x128xi32>
    %select_n3A_616 = arith.select %ge3A_611, %select_n3A_549, %select_n3A_559 : vector<1024x128xi1>, vector<1024x128xf32>
    %select_n3A_617 = arith.select %ge3A_611, %select_n3A_550, %select_n3A_560 : vector<1024x128xi1>, vector<1024x128xi32>
    %gt3A_618 = arith.cmpf ogt, %select_n3A_614, %select_n3A_616 : vector<1024x128xf32>
    %select_n3A_619 = arith.select %gt3A_618, %select_n3A_614, %select_n3A_616 : vector<1024x128xi1>, vector<1024x128xf32>
    %select_n3A_620 = arith.select %gt3A_618, %select_n3A_615, %select_n3A_617 : vector<1024x128xi1>, vector<1024x128xi32>
    %ge3A_621 = arith.cmpf oge, %select_n3A_562, %select_n3A_572 : vector<1024x128xf32>
    %select_n3A_622 = arith.select %ge3A_621, %select_n3A_562, %select_n3A_572 : vector<1024x128xi1>, vector<1024x128xf32>
    %select_n3A_623 = arith.select %ge3A_621, %select_n3A_563, %select_n3A_573 : vector<1024x128xi1>, vector<1024x128xi32>
    %select_n3A_624 = arith.select %ge3A_621, %select_n3A_572, %select_n3A_562 : vector<1024x128xi1>, vector<1024x128xf32>
    %select_n3A_625 = arith.select %ge3A_621, %select_n3A_573, %select_n3A_563 : vector<1024x128xi1>, vector<1024x128xi32>
    %select_n3A_626 = arith.select %ge3A_621, %select_n3A_569, %select_n3A_579 : vector<1024x128xi1>, vector<1024x128xf32>
    %select_n3A_627 = arith.select %ge3A_621, %select_n3A_570, %select_n3A_580 : vector<1024x128xi1>, vector<1024x128xi32>
    %gt3A_628 = arith.cmpf ogt, %select_n3A_624, %select_n3A_626 : vector<1024x128xf32>
    %select_n3A_629 = arith.select %gt3A_628, %select_n3A_624, %select_n3A_626 : vector<1024x128xi1>, vector<1024x128xf32>
    %select_n3A_630 = arith.select %gt3A_628, %select_n3A_625, %select_n3A_627 : vector<1024x128xi1>, vector<1024x128xi32>
    %ge3A_631 = arith.cmpf oge, %select_n3A_582, %select_n3A_592 : vector<1024x128xf32>
    %select_n3A_632 = arith.select %ge3A_631, %select_n3A_582, %select_n3A_592 : vector<1024x128xi1>, vector<1024x128xf32>
    %select_n3A_633 = arith.select %ge3A_631, %select_n3A_583, %select_n3A_593 : vector<1024x128xi1>, vector<1024x128xi32>
    %select_n3A_634 = arith.select %ge3A_631, %select_n3A_592, %select_n3A_582 : vector<1024x128xi1>, vector<1024x128xf32>
    %select_n3A_635 = arith.select %ge3A_631, %select_n3A_593, %select_n3A_583 : vector<1024x128xi1>, vector<1024x128xi32>
    %select_n3A_636 = arith.select %ge3A_631, %select_n3A_589, %select_n3A_599 : vector<1024x128xi1>, vector<1024x128xf32>
    %select_n3A_637 = arith.select %ge3A_631, %select_n3A_590, %select_n3A_600 : vector<1024x128xi1>, vector<1024x128xi32>
    %gt3A_638 = arith.cmpf ogt, %select_n3A_634, %select_n3A_636 : vector<1024x128xf32>
    %select_n3A_639 = arith.select %gt3A_638, %select_n3A_634, %select_n3A_636 : vector<1024x128xi1>, vector<1024x128xf32>
    %select_n3A_640 = arith.select %gt3A_638, %select_n3A_635, %select_n3A_637 : vector<1024x128xi1>, vector<1024x128xi32>
    %ge3A_641 = arith.cmpf oge, %select_n3A_602, %select_n3A_612 : vector<1024x128xf32>
    %select_n3A_642 = arith.select %ge3A_641, %select_n3A_602, %select_n3A_612 : vector<1024x128xi1>, vector<1024x128xf32>
    %select_n3A_643 = arith.select %ge3A_641, %select_n3A_603, %select_n3A_613 : vector<1024x128xi1>, vector<1024x128xi32>
    %select_n3A_644 = arith.select %ge3A_641, %select_n3A_612, %select_n3A_602 : vector<1024x128xi1>, vector<1024x128xf32>
    %select_n3A_645 = arith.select %ge3A_641, %select_n3A_613, %select_n3A_603 : vector<1024x128xi1>, vector<1024x128xi32>
    %select_n3A_646 = arith.select %ge3A_641, %select_n3A_609, %select_n3A_619 : vector<1024x128xi1>, vector<1024x128xf32>
    %select_n3A_647 = arith.select %ge3A_641, %select_n3A_610, %select_n3A_620 : vector<1024x128xi1>, vector<1024x128xi32>
    %gt3A_648 = arith.cmpf ogt, %select_n3A_644, %select_n3A_646 : vector<1024x128xf32>
    %select_n3A_649 = arith.select %gt3A_648, %select_n3A_644, %select_n3A_646 : vector<1024x128xi1>, vector<1024x128xf32>
    %select_n3A_650 = arith.select %gt3A_648, %select_n3A_645, %select_n3A_647 : vector<1024x128xi1>, vector<1024x128xi32>
    %ge3A_651 = arith.cmpf oge, %select_n3A_632, %select_n3A_642 : vector<1024x128xf32>
    %select_n3A_652 = arith.select %ge3A_651, %select_n3A_632, %select_n3A_642 : vector<1024x128xi1>, vector<1024x128xf32>
    %select_n3A_653 = arith.select %ge3A_651, %select_n3A_633, %select_n3A_643 : vector<1024x128xi1>, vector<1024x128xi32>
    %select_n3A_654 = arith.select %ge3A_651, %select_n3A_642, %select_n3A_632 : vector<1024x128xi1>, vector<1024x128xf32>
    %select_n3A_655 = arith.select %ge3A_651, %select_n3A_643, %select_n3A_633 : vector<1024x128xi1>, vector<1024x128xi32>
    %select_n3A_656 = arith.select %ge3A_651, %select_n3A_639, %select_n3A_649 : vector<1024x128xi1>, vector<1024x128xf32>
    %select_n3A_657 = arith.select %ge3A_651, %select_n3A_640, %select_n3A_650 : vector<1024x128xi1>, vector<1024x128xi32>
    %gt3A_658 = arith.cmpf ogt, %select_n3A_654, %select_n3A_656 : vector<1024x128xf32>
    %select_n3A_659 = arith.select %gt3A_658, %select_n3A_654, %select_n3A_656 : vector<1024x128xi1>, vector<1024x128xf32>
    %select_n3A_660 = arith.select %gt3A_658, %select_n3A_655, %select_n3A_657 : vector<1024x128xi1>, vector<1024x128xi32>
    %ge3A_661 = arith.cmpf oge, %select_n3A_652, %select_n3A_622 : vector<1024x128xf32>
    %select_n3A_662 = arith.select %ge3A_661, %select_n3A_652, %select_n3A_622 : vector<1024x128xi1>, vector<1024x128xf32>
    %select_n3A_663 = arith.select %ge3A_661, %select_n3A_653, %select_n3A_623 : vector<1024x128xi1>, vector<1024x128xi32>
    %select_n3A_664 = arith.select %ge3A_661, %select_n3A_622, %select_n3A_652 : vector<1024x128xi1>, vector<1024x128xf32>
    %select_n3A_665 = arith.select %ge3A_661, %select_n3A_623, %select_n3A_653 : vector<1024x128xi1>, vector<1024x128xi32>
    %select_n3A_666 = arith.select %ge3A_661, %select_n3A_659, %select_n3A_629 : vector<1024x128xi1>, vector<1024x128xf32>
    %select_n3A_667 = arith.select %ge3A_661, %select_n3A_660, %select_n3A_630 : vector<1024x128xi1>, vector<1024x128xi32>
    %gt3A_668 = arith.cmpf ogt, %select_n3A_664, %select_n3A_666 : vector<1024x128xf32>
    %select_n3A_669 = arith.select %gt3A_668, %select_n3A_664, %select_n3A_666 : vector<1024x128xi1>, vector<1024x128xf32>
    %select_n3A_670 = arith.select %gt3A_668, %select_n3A_665, %select_n3A_667 : vector<1024x128xi1>, vector<1024x128xi32>
    %gt3A_671 = arith.cmpf ogt, %select_n3A_662, %get3A_3 : vector<1024x128xf32>
    %select_n3A_672 = arith.select %gt3A_671, %get3A_3, %select_n3A_662 : vector<1024x128xi1>, vector<1024x128xf32>
    %select_n3A_673 = arith.select %gt3A_671, %get3A_12, %select_n3A_663 : vector<1024x128xi1>, vector<1024x128xi32>
    %select_n3A_674 = arith.select %gt3A_671, %select_n3A_662, %get3A_3 : vector<1024x128xi1>, vector<1024x128xf32>
    %select_n3A_675 = arith.select %gt3A_671, %select_n3A_663, %get3A_12 : vector<1024x128xi1>, vector<1024x128xi32>
    %gt3A_676 = arith.cmpf ogt, %select_n3A_672, %get3A_6 : vector<1024x128xf32>
    %select_n3A_677 = arith.select %gt3A_676, %get3A_6, %select_n3A_672 : vector<1024x128xi1>, vector<1024x128xf32>
    %select_n3A_678 = arith.select %gt3A_676, %get3A_15, %select_n3A_673 : vector<1024x128xi1>, vector<1024x128xi32>
    %select_n3A_679 = arith.select %gt3A_676, %select_n3A_672, %get3A_6 : vector<1024x128xi1>, vector<1024x128xf32>
    %select_n3A_680 = arith.select %gt3A_676, %select_n3A_673, %get3A_15 : vector<1024x128xi1>, vector<1024x128xi32>
    %gt3A_681 = arith.cmpf ogt, %select_n3A_677, %get3A_9 : vector<1024x128xf32>
    %select_n3A_682 = arith.select %gt3A_681, %select_n3A_677, %get3A_9 : vector<1024x128xi1>, vector<1024x128xf32>
    %select_n3A_683 = arith.select %gt3A_681, %select_n3A_678, %get3A_18 : vector<1024x128xi1>, vector<1024x128xi32>
    %gt3A_684 = arith.cmpf ogt, %select_n3A_669, %select_n3A_679 : vector<1024x128xf32>
    %select_n3A_685 = arith.select %gt3A_684, %select_n3A_679, %select_n3A_669 : vector<1024x128xi1>, vector<1024x128xf32>
    %select_n3A_686 = arith.select %gt3A_684, %select_n3A_680, %select_n3A_670 : vector<1024x128xi1>, vector<1024x128xi32>
    %select_n3A_687 = arith.select %gt3A_684, %select_n3A_669, %select_n3A_679 : vector<1024x128xi1>, vector<1024x128xf32>
    %select_n3A_688 = arith.select %gt3A_684, %select_n3A_670, %select_n3A_680 : vector<1024x128xi1>, vector<1024x128xi32>
    %gt3A_689 = arith.cmpf ogt, %select_n3A_685, %select_n3A_682 : vector<1024x128xf32>
    %select_n3A_690 = arith.select %gt3A_689, %select_n3A_685, %select_n3A_682 : vector<1024x128xi1>, vector<1024x128xf32>
    %select_n3A_691 = arith.select %gt3A_689, %select_n3A_686, %select_n3A_683 : vector<1024x128xi1>, vector<1024x128xi32>
    %swap3A = arith.constant 0 : index
    %swap3A_692 = arith.constant 0 : index
    %swap3A_693 = vector.load %arg4[%swap3A, %swap3A_692] : memref<1024x128xf32, #tpu.memory_space<vmem>>, vector<1024x128xf32>
    tpu.vector_store %arg4[%swap3A, %swap3A_692], %select_n3A_674 {strides = array<i32>} : memref<1024x128xf32, #tpu.memory_space<vmem>>, vector<1024x128xf32>,
    %swap3A_694 = arith.constant 0 : index
    %swap3A_695 = arith.constant 0 : index
    %swap3A_696 = vector.load %arg5[%swap3A_694, %swap3A_695] : memref<1024x128xf32, #tpu.memory_space<vmem>>, vector<1024x128xf32>
    tpu.vector_store %arg5[%swap3A_694, %swap3A_695], %select_n3A_687 {strides = array<i32>} : memref<1024x128xf32, #tpu.memory_space<vmem>>, vector<1024x128xf32>,
    %swap3A_697 = arith.constant 0 : index
    %swap3A_698 = arith.constant 0 : index
    %swap3A_699 = vector.load %arg6[%swap3A_697, %swap3A_698] : memref<1024x128xf32, #tpu.memory_space<vmem>>, vector<1024x128xf32>
    tpu.vector_store %arg6[%swap3A_697, %swap3A_698], %select_n3A_690 {strides = array<i32>} : memref<1024x128xf32, #tpu.memory_space<vmem>>, vector<1024x128xf32>,
    %swap3A_700 = arith.constant 0 : index
    %swap3A_701 = arith.constant 0 : index
    %swap3A_702 = vector.load %arg7[%swap3A_700, %swap3A_701] : memref<1024x128xi32, #tpu.memory_space<vmem>>, vector<1024x128xi32>
    tpu.vector_store %arg7[%swap3A_700, %swap3A_701], %select_n3A_675 {strides = array<i32>} : memref<1024x128xi32, #tpu.memory_space<vmem>>, vector<1024x128xi32>,
    %swap3A_703 = arith.constant 0 : index
    %swap3A_704 = arith.constant 0 : index
    %swap3A_705 = vector.load %arg8[%swap3A_703, %swap3A_704] : memref<1024x128xi32, #tpu.memory_space<vmem>>, vector<1024x128xi32>
    tpu.vector_store %arg8[%swap3A_703, %swap3A_704], %select_n3A_688 {strides = array<i32>} : memref<1024x128xi32, #tpu.memory_space<vmem>>, vector<1024x128xi32>,
    %swap3A_706 = arith.constant 0 : index
    %swap3A_707 = arith.constant 0 : index
    %swap3A_708 = vector.load %arg9[%swap3A_706, %swap3A_707] : memref<1024x128xi32, #tpu.memory_space<vmem>>, vector<1024x128xi32>
    tpu.vector_store %arg9[%swap3A_706, %swap3A_707], %select_n3A_691 {strides = array<i32>} : memref<1024x128xi32, #tpu.memory_space<vmem>>, vector<1024x128xi32>,
    return
  }
  func.func @transform_0(%arg0: i32) -> (i32, i32) {
    %c0_i32 = arith.constant 0 : i32
    %c0_i32_0 = arith.constant 0 : i32
    %c0_i32_1 = arith.constant 0 : i32
    return %c0_i32, %c0_i32_0 : i32, i32
  }
  func.func @transform_1(%arg0: i32) -> (i32, i32) {
    %mul3A = arith.constant 2 : i32
    %mul3A_0 = arith.muli %mul3A, %arg0 : i32
    %c0_i32 = arith.constant 0 : i32
    %c0_i32_1 = arith.constant 0 : i32
    return %mul3A_0, %c0_i32 : i32, i32
  }
  func.func @transform_2(%arg0: i32) -> (i32, i32) {
    %mul3A = arith.constant 2 : i32
    %mul3A_0 = arith.muli %mul3A, %arg0 : i32
    %add3A = arith.constant 1 : i32
    %add3A_1 = arith.addi %mul3A_0, %add3A : i32
    %c0_i32 = arith.constant 0 : i32
    %c0_i32_2 = arith.constant 0 : i32
    return %add3A_1, %c0_i32 : i32, i32
  }
  func.func @transform_3(%arg0: i32) -> (i32, i32) {
    %c0_i32 = arith.constant 0 : i32
    %c0_i32_0 = arith.constant 0 : i32
    %c0_i32_1 = arith.constant 0 : i32
    return %c0_i32, %c0_i32_0 : i32, i32
  }
  func.func @transform_4(%arg0: i32) -> (i32, i32) {
    %c0_i32 = arith.constant 0 : i32
    %c0_i32_0 = arith.constant 0 : i32
    %c0_i32_1 = arith.constant 0 : i32
    return %c0_i32, %c0_i32_0 : i32, i32
  }
  func.func @transform_5(%arg0: i32) -> (i32, i32) {
    %c0_i32 = arith.constant 0 : i32
    %c0_i32_0 = arith.constant 0 : i32
    %c0_i32_1 = arith.constant 0 : i32
    return %c0_i32, %c0_i32_0 : i32, i32
  }
  func.func @transform_6(%arg0: i32) -> (i32, i32) {
    %c0_i32 = arith.constant 0 : i32
    %c0_i32_0 = arith.constant 0 : i32
    %c0_i32_1 = arith.constant 0 : i32
    return %c0_i32, %c0_i32_0 : i32, i32
  }
  func.func @transform_7(%arg0: i32) -> (i32, i32) {
    %c0_i32 = arith.constant 0 : i32
    %c0_i32_0 = arith.constant 0 : i32
    %c0_i32_1 = arith.constant 0 : i32
    return %c0_i32, %c0_i32_0 : i32, i32
  }
  func.func @transform_8(%arg0: i32) -> (i32, i32) {
    %c0_i32 = arith.constant 0 : i32
    %c0_i32_0 = arith.constant 0 : i32
    %c0_i32_1 = arith.constant 0 : i32
    return %c0_i32, %c0_i32_0 : i32, i32
  }
}

module attributes {stable_mosaic.version = 14 : i64} {
  func.func @_finalize_body(%arg0: memref<1024x128xf32, #tpu.memory_space<vmem>>, %arg1: memref<1024x128xf32, #tpu.memory_space<vmem>>, %arg2: memref<1024x128xf32, #tpu.memory_space<vmem>>, %arg3: memref<1024x128xi32, #tpu.memory_space<vmem>>, %arg4: memref<1024x128xi32, #tpu.memory_space<vmem>>, %arg5: memref<1024x128xi32, #tpu.memory_space<vmem>>, %arg6: memref<1024x3xf32, #tpu.memory_space<vmem>>, %arg7: memref<1024x3xi32, #tpu.memory_space<vmem>>) attributes {dimension_semantics = [], scalar_prefetch = 0 : i64, scratch_operands = 0 : i64, tpu.core_type = #tpu.core_type<tc>} {
    %get3A = arith.constant 0 : index
    %get3A_0 = arith.constant 0 : index
    %get3A_1 = vector.load %arg0[%get3A, %get3A_0] : memref<1024x128xf32, #tpu.memory_space<vmem>>, vector<1024x128xf32>
    %get3A_2 = arith.constant 0 : index
    %get3A_3 = arith.constant 0 : index
    %get3A_4 = vector.load %arg1[%get3A_2, %get3A_3] : memref<1024x128xf32, #tpu.memory_space<vmem>>, vector<1024x128xf32>
    %get3A_5 = arith.constant 0 : index
    %get3A_6 = arith.constant 0 : index
    %get3A_7 = vector.load %arg2[%get3A_5, %get3A_6] : memref<1024x128xf32, #tpu.memory_space<vmem>>, vector<1024x128xf32>
    %concatenate3A = tpu.concatenate %get3A_1, %get3A_4, %get3A_7 in 1 : vector<1024x128xf32>, vector<1024x128xf32>, vector<1024x128xf32> -> vector<1024x384xf32>
    %iota3A = tpu.iota {dimensions = array<i32: 1>} : vector<1024x384xi32>
    %jit3A = arith.constant 128 : i32
    %eq3A = arith.constant 0 : i32
    %eq3A_8 = arith.cmpi eq, %jit3A, %eq3A : i32
    %jit3A_9 = arith.constant 1 : i32
    %select_n3A = arith.select %eq3A_8, %jit3A_9, %jit3A : i32
    %rem3A = vector.broadcast %select_n3A : i32 to vector<1024x384xi32>
    %rem3A_10 = arith.remsi %iota3A, %rem3A : vector<1024x384xi32>
    %ne3A = arith.constant 0 : i32
    %ne3A_11 = vector.broadcast %ne3A : i32 to vector<1024x384xi32>
    %ne3A_12 = arith.cmpi ne, %rem3A_10, %ne3A_11 : vector<1024x384xi32>
    %lt3A = arith.constant 0 : i32
    %lt3A_13 = vector.broadcast %lt3A : i32 to vector<1024x384xi32>
    %lt3A_14 = arith.cmpi slt, %rem3A_10, %lt3A_13 : vector<1024x384xi32>
    %lt3A_15 = arith.constant 0 : i32
    %lt3A_16 = arith.cmpi slt, %select_n3A, %lt3A_15 : i32
    %ne3A_17 = vector.broadcast %lt3A_16 : i1 to vector<1024x384xi1>
    %ne3A_18 = vector.broadcast %ne3A_17 : vector<1024x384xi1> to vector<1024x384xi1>
    %ne3A_19 = arith.xori %lt3A_14, %ne3A_18 : vector<1024x384xi1>
    %and3A = arith.andi %ne3A_19, %ne3A_12 : vector<1024x384xi1>
    %add3A = vector.broadcast %select_n3A : i32 to vector<1024x384xi32>
    %add3A_20 = arith.addi %rem3A_10, %add3A : vector<1024x384xi32>
    %select_n3A_21 = arith.select %and3A, %add3A_20, %rem3A_10 : vector<1024x384xi1>, vector<1024x384xi32>
    %get3A_22 = arith.constant 0 : index
    %get3A_23 = arith.constant 0 : index
    %get3A_24 = vector.load %arg3[%get3A_22, %get3A_23] : memref<1024x128xi32, #tpu.memory_space<vmem>>, vector<1024x128xi32>
    %get3A_25 = arith.constant 0 : index
    %get3A_26 = arith.constant 0 : index
    %get3A_27 = vector.load %arg4[%get3A_25, %get3A_26] : memref<1024x128xi32, #tpu.memory_space<vmem>>, vector<1024x128xi32>
    %get3A_28 = arith.constant 0 : index
    %get3A_29 = arith.constant 0 : index
    %get3A_30 = vector.load %arg5[%get3A_28, %get3A_29] : memref<1024x128xi32, #tpu.memory_space<vmem>>, vector<1024x128xi32>
    %concatenate3A_31 = tpu.concatenate %get3A_24, %get3A_27, %get3A_30 in 1 : vector<1024x128xi32>, vector<1024x128xi32>, vector<1024x128xi32> -> vector<1024x384xi32>
    %mul3A = arith.constant 128 : i32
    %mul3A_32 = vector.broadcast %mul3A : i32 to vector<1024x384xi32>
    %mul3A_33 = arith.muli %concatenate3A_31, %mul3A_32 : vector<1024x384xi32>
    %add3A_34 = arith.addi %mul3A_33, %select_n3A_21 : vector<1024x384xi32>
    %reduce_max3A = arith.constant dense<0xFF800000> : vector<1024xf32>
    %reduce_max3A_35 = vector.multi_reduction <maximumf>, %concatenate3A, %reduce_max3A [1] : vector<1024x384xf32> to vector<1024xf32>
    %broadcast_in_dim3A = vector.shape_cast %reduce_max3A_35 : vector<1024xf32> to vector<1024x1xf32>
    %eq3A_36 = vector.broadcast %broadcast_in_dim3A : vector<1024x1xf32> to vector<1024x384xf32>
    %eq3A_37 = arith.cmpf oeq, %concatenate3A, %eq3A_36 : vector<1024x384xf32>
    %jit3A_38 = arith.constant 2147483647 : i32
    %broadcast_in_dim3A_39 = vector.broadcast %jit3A_38 : i32 to vector<1024x384xi32>
    %select_n3A_40 = arith.select %eq3A_37, %add3A_34, %broadcast_in_dim3A_39 : vector<1024x384xi1>, vector<1024x384xi32>
    %reduce_min3A = arith.constant dense<2147483647> : vector<1024xi32>
    %reduce_min3A_41 = vector.multi_reduction <minsi>, %select_n3A_40, %reduce_min3A [1] : vector<1024x384xi32> to vector<1024xi32>
    %broadcast_in_dim3A_42 = vector.shape_cast %reduce_min3A_41 : vector<1024xi32> to vector<1024x1xi32>
    %eq3A_43 = vector.broadcast %broadcast_in_dim3A_42 : vector<1024x1xi32> to vector<1024x384xi32>
    %eq3A_44 = arith.cmpi eq, %add3A_34, %eq3A_43 : vector<1024x384xi32>
    %jit3A_45 = arith.constant 0xFF800000 : f32
    %broadcast_in_dim3A_46 = vector.broadcast %jit3A_45 : f32 to vector<1024x384xf32>
    %select_n3A_47 = arith.select %eq3A_44, %broadcast_in_dim3A_46, %concatenate3A : vector<1024x384xi1>, vector<1024x384xf32>
    %reduce_max3A_48 = arith.constant dense<0xFF800000> : vector<1024xf32>
    %reduce_max3A_49 = vector.multi_reduction <maximumf>, %select_n3A_47, %reduce_max3A_48 [1] : vector<1024x384xf32> to vector<1024xf32>
    %broadcast_in_dim3A_50 = vector.shape_cast %reduce_max3A_49 : vector<1024xf32> to vector<1024x1xf32>
    %eq3A_51 = vector.broadcast %broadcast_in_dim3A_50 : vector<1024x1xf32> to vector<1024x384xf32>
    %eq3A_52 = arith.cmpf oeq, %select_n3A_47, %eq3A_51 : vector<1024x384xf32>
    %jit3A_53 = arith.constant 2147483647 : i32
    %broadcast_in_dim3A_54 = vector.broadcast %jit3A_53 : i32 to vector<1024x384xi32>
    %select_n3A_55 = arith.select %eq3A_52, %add3A_34, %broadcast_in_dim3A_54 : vector<1024x384xi1>, vector<1024x384xi32>
    %reduce_min3A_56 = arith.constant dense<2147483647> : vector<1024xi32>
    %reduce_min3A_57 = vector.multi_reduction <minsi>, %select_n3A_55, %reduce_min3A_56 [1] : vector<1024x384xi32> to vector<1024xi32>
    %broadcast_in_dim3A_58 = vector.shape_cast %reduce_min3A_57 : vector<1024xi32> to vector<1024x1xi32>
    %eq3A_59 = vector.broadcast %broadcast_in_dim3A_58 : vector<1024x1xi32> to vector<1024x384xi32>
    %eq3A_60 = arith.cmpi eq, %add3A_34, %eq3A_59 : vector<1024x384xi32>
    %jit3A_61 = arith.constant 0xFF800000 : f32
    %broadcast_in_dim3A_62 = vector.broadcast %jit3A_61 : f32 to vector<1024x384xf32>
    %select_n3A_63 = arith.select %eq3A_60, %broadcast_in_dim3A_62, %select_n3A_47 : vector<1024x384xi1>, vector<1024x384xf32>
    %reduce_max3A_64 = arith.constant dense<0xFF800000> : vector<1024xf32>
    %reduce_max3A_65 = vector.multi_reduction <maximumf>, %select_n3A_63, %reduce_max3A_64 [1] : vector<1024x384xf32> to vector<1024xf32>
    %broadcast_in_dim3A_66 = vector.shape_cast %reduce_max3A_65 : vector<1024xf32> to vector<1024x1xf32>
    %eq3A_67 = vector.broadcast %broadcast_in_dim3A_66 : vector<1024x1xf32> to vector<1024x384xf32>
    %eq3A_68 = arith.cmpf oeq, %select_n3A_63, %eq3A_67 : vector<1024x384xf32>
    %jit3A_69 = arith.constant 2147483647 : i32
    %broadcast_in_dim3A_70 = vector.broadcast %jit3A_69 : i32 to vector<1024x384xi32>
    %select_n3A_71 = arith.select %eq3A_68, %add3A_34, %broadcast_in_dim3A_70 : vector<1024x384xi1>, vector<1024x384xi32>
    %reduce_min3A_72 = arith.constant dense<2147483647> : vector<1024xi32>
    %reduce_min3A_73 = vector.multi_reduction <minsi>, %select_n3A_71, %reduce_min3A_72 [1] : vector<1024x384xi32> to vector<1024xi32>
    %broadcast_in_dim3A_74 = vector.shape_cast %reduce_min3A_73 : vector<1024xi32> to vector<1024x1xi32>
    %concatenate3A_75 = tpu.concatenate %broadcast_in_dim3A, %broadcast_in_dim3A_50, %broadcast_in_dim3A_66 in 1 : vector<1024x1xf32>, vector<1024x1xf32>, vector<1024x1xf32> -> vector<1024x3xf32>
    %swap3A = arith.constant 0 : index
    %swap3A_76 = arith.constant 0 : index
    %swap3A_77 = vector.load %arg6[%swap3A, %swap3A_76] : memref<1024x3xf32, #tpu.memory_space<vmem>>, vector<1024x3xf32>
    tpu.vector_store %arg6[%swap3A, %swap3A_76], %concatenate3A_75 {strides = array<i32>} : memref<1024x3xf32, #tpu.memory_space<vmem>>, vector<1024x3xf32>,
    %concatenate3A_78 = tpu.concatenate %broadcast_in_dim3A_42, %broadcast_in_dim3A_58, %broadcast_in_dim3A_74 in 1 : vector<1024x1xi32>, vector<1024x1xi32>, vector<1024x1xi32> -> vector<1024x3xi32>
    %swap3A_79 = arith.constant 0 : index
    %swap3A_80 = arith.constant 0 : index
    %swap3A_81 = vector.load %arg7[%swap3A_79, %swap3A_80] : memref<1024x3xi32, #tpu.memory_space<vmem>>, vector<1024x3xi32>
    tpu.vector_store %arg7[%swap3A_79, %swap3A_80], %concatenate3A_78 {strides = array<i32>} : memref<1024x3xi32, #tpu.memory_space<vmem>>, vector<1024x3xi32>,
    return
  }
}

module attributes {stable_mosaic.version = 14 : i64} {
  func.func @_mlp_body(%arg0: memref<1024x768xf32, #tpu.memory_space<vmem>>, %arg1: memref<1024x768xf32, #tpu.memory_space<vmem>>, %arg2: memref<1536x1024xf32, #tpu.memory_space<vmem>>, %arg3: memref<1x1024xf32, #tpu.memory_space<vmem>>, %arg4: memref<1024x512xf32, #tpu.memory_space<vmem>>, %arg5: memref<1x512xf32, #tpu.memory_space<vmem>>, %arg6: memref<512x384xf32, #tpu.memory_space<vmem>>, %arg7: memref<1x384xf32, #tpu.memory_space<vmem>>, %arg8: memref<1024x384xf32, #tpu.memory_space<vmem>>) attributes {dimension_semantics = [], scalar_prefetch = 0 : i64, scratch_operands = 0 : i64, tpu.core_type = #tpu.core_type<tc>} {
    %get3A = arith.constant 0 : index
    %get3A_0 = arith.constant 0 : index
    %get3A_1 = vector.load %arg0[%get3A, %get3A_0] : memref<1024x768xf32, #tpu.memory_space<vmem>>, vector<1024x768xf32>
    %get3A_2 = arith.constant 0 : index
    %get3A_3 = arith.constant 0 : index
    %get3A_4 = vector.load %arg2[%get3A_2, %get3A_3] : memref<1536x1024xf32, #tpu.memory_space<vmem>>, vector<768x1024xf32>
    %dot_general3A = arith.constant dense<0.000000e+00> : vector<1024x1024xf32>
    %dot_general3A_5 = tpu.matmul %get3A_1, %get3A_4, %dot_general3A {dimension_numbers = #tpu.dot_dimension_numbers<[1], [0], [0], [1], [0, 0, 1, 1], [], []>, transpose_lhs_hint = false} : vector<1024x768xf32>, vector<768x1024xf32>, vector<1024x1024xf32> -> vector<1024x1024xf32>
    %get3A_6 = arith.constant 0 : index
    %get3A_7 = arith.constant 0 : index
    %get3A_8 = vector.load %arg1[%get3A_6, %get3A_7] : memref<1024x768xf32, #tpu.memory_space<vmem>>, vector<1024x768xf32>
    %get3A_9 = arith.constant 768 : index
    %get3A_10 = arith.constant 0 : index
    %get3A_11 = vector.load %arg2[%get3A_9, %get3A_10] : memref<1536x1024xf32, #tpu.memory_space<vmem>>, vector<768x1024xf32>
    %dot_general3A_12 = arith.constant dense<0.000000e+00> : vector<1024x1024xf32>
    %dot_general3A_13 = tpu.matmul %get3A_8, %get3A_11, %dot_general3A_12 {dimension_numbers = #tpu.dot_dimension_numbers<[1], [0], [0], [1], [0, 0, 1, 1], [], []>, transpose_lhs_hint = false} : vector<1024x768xf32>, vector<768x1024xf32>, vector<1024x1024xf32> -> vector<1024x1024xf32>
    %add3A = arith.addf %dot_general3A_5, %dot_general3A_13 : vector<1024x1024xf32>
    %get3A_14 = arith.constant 0 : index
    %get3A_15 = arith.constant 0 : index
    %get3A_16 = vector.load %arg3[%get3A_14, %get3A_15] : memref<1x1024xf32, #tpu.memory_space<vmem>>, vector<1x1024xf32>
    %add3A_17 = vector.broadcast %get3A_16 : vector<1x1024xf32> to vector<1024x1024xf32>
    %add3A_18 = arith.addf %add3A, %add3A_17 : vector<1024x1024xf32>
    %max3A = arith.constant 0.000000e+00 : f32
    %max3A_19 = vector.broadcast %max3A : f32 to vector<1024x1024xf32>
    %max3A_20 = arith.maximumf %add3A_18, %max3A_19 : vector<1024x1024xf32>
    %get3A_21 = arith.constant 0 : index
    %get3A_22 = arith.constant 0 : index
    %get3A_23 = vector.load %arg4[%get3A_21, %get3A_22] : memref<1024x512xf32, #tpu.memory_space<vmem>>, vector<1024x512xf32>
    %dot_general3A_24 = arith.constant dense<0.000000e+00> : vector<1024x512xf32>
    %dot_general3A_25 = tpu.matmul %max3A_20, %get3A_23, %dot_general3A_24 {dimension_numbers = #tpu.dot_dimension_numbers<[1], [0], [0], [1], [0, 0, 1, 1], [], []>, transpose_lhs_hint = false} : vector<1024x1024xf32>, vector<1024x512xf32>, vector<1024x512xf32> -> vector<1024x512xf32>
    %get3A_26 = arith.constant 0 : index
    %get3A_27 = arith.constant 0 : index
    %get3A_28 = vector.load %arg5[%get3A_26, %get3A_27] : memref<1x512xf32, #tpu.memory_space<vmem>>, vector<1x512xf32>
    %add3A_29 = vector.broadcast %get3A_28 : vector<1x512xf32> to vector<1024x512xf32>
    %add3A_30 = arith.addf %dot_general3A_25, %add3A_29 : vector<1024x512xf32>
    %max3A_31 = arith.constant 0.000000e+00 : f32
    %max3A_32 = vector.broadcast %max3A_31 : f32 to vector<1024x512xf32>
    %max3A_33 = arith.maximumf %add3A_30, %max3A_32 : vector<1024x512xf32>
    %get3A_34 = arith.constant 0 : index
    %get3A_35 = arith.constant 0 : index
    %get3A_36 = vector.load %arg6[%get3A_34, %get3A_35] : memref<512x384xf32, #tpu.memory_space<vmem>>, vector<512x384xf32>
    %dot_general3A_37 = arith.constant dense<0.000000e+00> : vector<1024x384xf32>
    %dot_general3A_38 = tpu.matmul %max3A_33, %get3A_36, %dot_general3A_37 {dimension_numbers = #tpu.dot_dimension_numbers<[1], [0], [0], [1], [0, 0, 1, 1], [], []>, transpose_lhs_hint = false} : vector<1024x512xf32>, vector<512x384xf32>, vector<1024x384xf32> -> vector<1024x384xf32>
    %get3A_39 = arith.constant 0 : index
    %get3A_40 = arith.constant 0 : index
    %get3A_41 = vector.load %arg7[%get3A_39, %get3A_40] : memref<1x384xf32, #tpu.memory_space<vmem>>, vector<1x384xf32>
    %add3A_42 = vector.broadcast %get3A_41 : vector<1x384xf32> to vector<1024x384xf32>
    %add3A_43 = arith.addf %dot_general3A_38, %add3A_42 : vector<1024x384xf32>
    %mul3A = arith.mulf %add3A_43, %add3A_43 : vector<1024x384xf32>
    %reduce_sum3A = arith.constant dense<0.000000e+00> : vector<1024xf32>
    %reduce_sum3A_44 = vector.multi_reduction <add>, %mul3A, %reduce_sum3A [1] : vector<1024x384xf32> to vector<1024xf32>
    %broadcast_in_dim3A = vector.shape_cast %reduce_sum3A_44 : vector<1024xf32> to vector<1024x1xf32>
    %sqrt3A = math.sqrt %broadcast_in_dim3A : vector<1024x1xf32>
    %add3A_45 = arith.constant 9.99999996E-13 : f32
    %add3A_46 = vector.broadcast %add3A_45 : f32 to vector<1024x1xf32>
    %add3A_47 = arith.addf %sqrt3A, %add3A_46 : vector<1024x1xf32>
    %div3A = vector.broadcast %add3A_47 : vector<1024x1xf32> to vector<1024x384xf32>
    %div3A_48 = arith.divf %add3A_43, %div3A : vector<1024x384xf32>
    %swap3A = arith.constant 0 : index
    %swap3A_49 = arith.constant 0 : index
    %swap3A_50 = vector.load %arg8[%swap3A, %swap3A_49] : memref<1024x384xf32, #tpu.memory_space<vmem>>, vector<1024x384xf32>
    tpu.vector_store %arg8[%swap3A, %swap3A_49], %div3A_48 {strides = array<i32>} : memref<1024x384xf32, #tpu.memory_space<vmem>>, vector<1024x384xf32>,
    return
  }
}

</mosaic_0001>

<sc_bundles>
// kernel: kernel.6.cloned.1.call-start
scs
__scs_entry_jumppad:
0x0: {  	(pc) =	sbr.rel $0x88, $3  }
0x1: {  	(tag) =	ssettag $0x0;
	lr =	simm.s32 $0x1  }
0x2: {  	[smem:$0x3F98] =	sst lr;
	_ =	strace $0xD0000000  }
0x3: {  	_ = 	snop  }
0x4: {  	_ = 	snop  }
0x5: {  	_ = 	snop  }
0x6: {  	_ = 	snop  }
0x7: {  	_ = 	snop  }
__scs_overlays_trampoline_lowered:
0x8: {  	[smem:$0x3FA7] =	sst s0  }
0x9: {  	[smem:$0x3FA8] =	sst s1  }
0xa: {  	[smem:$0x3FA9] =	sst s2  }
0xb: {  	[smem:$0x3FAA] =	sst s3  }
0xc: {  	[smem:$0x3FAB] =	sst s4  }
0xd: {  	[smem:$0x3FAC] =	sst s5  }
0xe: {  	[smem:$0x3FAD] =	sst s6  }
0xf: {  	[smem:$0x3FAE] =	sst s7  }
0x10: {  	[smem:$0x3FAF] =	sst s8  }
0x11: {  	[smem:$0x3FB0] =	sst s9;
	s0 =	simm.s32 @!p0 $0x0  }
0x12: {  	s1 =	sld [smem:$0x3F96];
	s0 =	simm.s32 @p0 $0x1  }
0x13: {  	[smem:$0x3FB1] =	sst s0;
	s0 =	simm.s32 @!p1 $0x0  }
0x14: {  	s2 =	sld [smem:$0x3F95];
	s0 =	simm.s32 @p1 $0x1  }
0x15: {  	[smem:$0x3FB2] =	sst s0;
	s0 =	simm.s32 @!p2 $0x0  }
0x16: {  	s3 =	sld [smem:$0x3FDB];
	s0 =	simm.s32 @p2 $0x1  }
0x17: {  	s4 =	simm.s32 $0x1BF5;
	[smem:$0x3FB4] =	sst s0  }
0x18: {  	s0 =	sld [smem:$0x3F97];
	_ =	swait.ge [sflag:s4], $0x0  }
0x19: {  	s7 =	sld [smem:$0x3F98]  }
0x1a: {  	s8 =	sadd.s32 $0xFFFFE003, lr  }
0x1b: {  	s9 =	sadd.s32 $0xFFFFFEF7, lr;
	s5 =	simm.s32 $0xFFFFFFFF;
	p2 =	slt.u32 s8, $0xFFFFF086  }
0x1c: {  	p1 =	slt.u32 s9, $0xF7A;
	s5 =	simm.s32 @!p2 $0x0  }
0x1d: {  	s5 =	simm.s32 @p1 $0x1;
	p0 =	seq.s32 s7, s2  }
0x1e: {  	s7 =	smul.u32 @!p0 $0xF7A, s2;
	p2 =	seq.s32 @!p0 s5, $0x0  }
0x1f: {  	s9 =	smul.u32 $0xF7A, s1;
	s8 =	simm.s32 @!p0 $0x1BF5;
	p2 =	por !p2, p0  }
0x20: {  	[sflag:s8] =	ssyncset.s32 @!p0 $0xFFFFF086;
	s6 =	sadd.s32 @!p0 s3, s7;
	s7 =	simm.s32 @!p0 $0x108  }
0x21: {  	s3 =	sadd.s32 s3, s9;
	s6 =	sadd.s32 @!p0 $0x88, s6;
	s7 =	simm.s32 @p2 $0x1082  }
0x22: {  	[simem:s7], [sflag:s8] =	dma.local @!p0 [hbm:s6], $0xF7A  }
0x23: {  	s9 =	sor.u32 $0xD0000000, s2;
	s6 =	simm.s32 $0x108;
	_ =	swait.ge @!p0 [sflag:s8], $0x0  }
0x24: {  	s3 =	sadd.s32 $0x88, s3;
	s6 =	simm.s32 @!p1 $0x1082;
	[sflag:s4] =	ssyncset.s32 $0xFFFFF086  }
0x25: {  	[simem:s6], [sflag:s4] =	dma.local [hbm:s3], $0xF7A  }
0x26: {  	[smem:$0x3F98] =	sst s1;
	(tag) =	ssettag s2;
	_ =	strace s9  }
0x27: {  	s1 =	sld [smem:$0x3FA8]  }
0x28: {  	s2 =	sld [smem:$0x3FA9]  }
0x29: {  	s4 =	sld [smem:$0x3FAB]  }
0x2a: {  	p0 =	seq.s32 s5, $0x0;
	s5 =	sld [smem:$0x3FAC]  }
0x2b: {  	s6 =	sld [smem:$0x3FAD]  }
0x2c: {  	s7 =	sld [smem:$0x3FAE]  }
0x2d: {  	s3 =	simm.s32 $0x108;
	s8 =	sld [smem:$0x3FAF]  }
0x2e: {  	s3 =	simm.s32 @!p0 $0x1082;
	s9 =	sld [smem:$0x3FB0]  }
0x2f: {  	lr =	sadd.s32 s0, s3;
	s0 =	sld [smem:$0x3FA7]  }
0x30: {  	s3 =	sld [smem:$0x3FAA]  }
0x31: {  	[smem:$0x3FB3] =	sst s10  }
0x32: {  	s10 =	sld [smem:$0x3FB1];
	_ =	sdelay $0x3  }
0x33: {  	p0 =	seq.s32 s10, $0x1;
	s10 =	sld [smem:$0x3FB3];
	_ =	sdelay $0x3  }
0x34: {  	[smem:$0x3FB3] =	sst s10  }
0x35: {  	s10 =	sld [smem:$0x3FB2];
	_ =	sdelay $0x3  }
0x36: {  	p1 =	seq.s32 s10, $0x1;
	s10 =	sld [smem:$0x3FB3];
	_ =	sdelay $0x3  }
0x37: {  	[smem:$0x3FB3] =	sst s10  }
0x38: {  	s10 =	sld [smem:$0x3FB4]  }
0x39: {  	_ = 	snop;
	(pc) =	sbr.ind lr, $3  }
0x3a: {  	_ = 	snop  }
0x3b: {  	_ = 	snop  }
0x3c: {  	p2 =	seq.s32 s10, $0x1;
	s10 =	sld [smem:$0x3FB3]  }
0x3d: {  	_ =	shalt  }
0x3e: {  	_ =	shalt  }
0x3f: {  	_ =	shalt  }
0x40: {  	_ =	shalt  }
0x41: {  	_ =	shalt  }
0x42: {  	_ =	shalt  }
0x43: {  	_ =	shalt  }
0x44: {  	_ =	shalt  }
0x45: {  	_ =	shalt  }
0x46: {  	_ =	shalt  }
0x47: {  	_ =	shalt  }
0x48: {  	_ =	shalt  }
0x49: {  	_ =	shalt  }
0x4a: {  	_ =	shalt  }
0x4b: {  	_ =	shalt  }
0x4c: {  	_ =	shalt  }
0x4d: {  	_ =	shalt  }
0x4e: {  	_ =	shalt  }
0x4f: {  	_ =	shalt  }
0x50: {  	_ =	shalt  }
0x51: {  	_ =	shalt  }
0x52: {  	_ =	shalt  }
0x53: {  	_ =	shalt  }
0x54: {  	_ =	shalt  }
0x55: {  	_ =	shalt  }
0x56: {  	_ =	shalt  }
0x57: {  	_ =	shalt  }
0x58: {  	_ =	shalt  }
0x59: {  	_ =	shalt  }
0x5a: {  	_ =	shalt  }
0x5b: {  	_ =	shalt  }
0x5c: {  	_ =	shalt  }
0x5d: {  	_ =	shalt  }
0x5e: {  	_ =	shalt  }
0x5f: {  	_ =	shalt  }
0x60: {  	_ =	shalt  }
0x61: {  	_ =	shalt  }
0x62: {  	_ =	shalt  }
0x63: {  	_ =	shalt  }
0x64: {  	_ =	shalt  }
0x65: {  	_ =	shalt  }
0x66: {  	_ =	shalt  }
0x67: {  	_ =	shalt  }
0x68: {  	_ =	shalt  }
0x69: {  	_ =	shalt  }
0x6a: {  	_ =	shalt  }
0x6b: {  	_ =	shalt  }
0x6c: {  	_ =	shalt  }
0x6d: {  	_ =	shalt  }
0x6e: {  	_ =	shalt  }
0x6f: {  	_ =	shalt  }
0x70: {  	_ =	shalt  }
0x71: {  	_ =	shalt  }
0x72: {  	_ =	shalt  }
0x73: {  	_ =	shalt  }
0x74: {  	_ =	shalt  }
0x75: {  	_ =	shalt  }
0x76: {  	_ =	shalt  }
0x77: {  	_ =	shalt  }
0x78: {  	_ =	shalt  }
0x79: {  	_ =	shalt  }
0x7a: {  	_ =	shalt  }
0x7b: {  	_ =	shalt  }
0x7c: {  	_ =	shalt  }
0x7d: {  	_ =	shalt  }
0x7e: {  	_ =	shalt  }
0x7f: {  	_ =	shalt  }
0x80: {  	_ =	shalt  }
0x81: {  	_ =	shalt  }
0x82: {  	_ =	shalt  }
0x83: {  	_ =	shalt  }
0x84: {  	_ =	shalt  }
0x85: {  	_ =	shalt  }
0x86: {  	_ =	shalt  }
0x87: {  	_ =	shalt  }
.Lfunc_end0:
.L_simem_size_0:
called_computation_lowered:
.L_overlay_start_0:
0x88: {  	s2 =	sld [smem:$0x3FD9]  }
0x89: {  	s3 =	sld [smem:$0x3FFE];
	_ =	sdelay $0x1  }
0x8a: {  	s1 =	srdreg.scid  }
0x8b: {  	s0 =	sand.u32 $0x1, s1  }
0x8c: {  	s14 =	sshll.u32 s0, $0xA;
	s2 =	sadd.s32 s3, s2  }
0x8d: {  	s2 =	sadd.s32 s2, s14  }
0x8e: {  	[smem:$0x3FBF] =	sst s2  }
0x8f: {  	_ = 	snop  }
0x90: {  	s2 =	sld [smem:$0x3FD0];
	_ =	sdelay $0x2  }
0x91: {  	s4 =	simm.s32 $0xA;
	s5 =	simm.s32 $0x10;
	s15 =	sld [smem:$0x3FC7]  }
0x92: {  	[smem:s5], [sflag:s4] =	dma.local [hbm:s2], $0x1  }
0x93: {  	_ =	swait.eq [sflag:s4], $0x1  }
0x94: {  	[sflag:s4] =	ssyncset.done $0x0  }
0x95: {  	[sflag:s4] =	ssyncadd.s32 $0xFFFFFFFF  }
0x96: {  	s16 =	sld [smem:$0x10];
	(tm) =	ssettm $0x1  }
0x97: {  	s17 =	sld [smem:$0x3FFB];
	_ =	sdelay $0x3  }
0x98: {  	_ =	strace s17  }
0x99: {  	s4 =	sld [smem:$0x3FFC];
	_ =	sdelay $0x3  }
0x9a: {  	_ =	strace s4  }
0x9b: {  	s4 =	sld [smem:$0x3FFD];
	_ =	sdelay $0x3  }
0x9c: {  	_ =	strace s4  }
0x9d: {  	_ =	strace $0x8FFFFFFF  }
0x9e: {  	s18 =	sld [smem:$0x3FDB];
	_ =	sdelay $0x1  }
0x9f: {  	s19 =	simm.s32 $_scs_section_size  }
0xa0: {  	s6 =	simm.s32 $_size__tile_overlayer_lowered;
	s7 =	simm.s32 $_tile_overlayer_lowered  }
0xa1: {  	s22 =	simm.s32 $0x1BFF;
	s21 =	sshll.u32 s7, $0x1;
	s4 =	sadd.s32 s19, s18  }
0xa2: {  	s8 =	simm.s32 $0x0;
	s20 =	sshll.u32 s6, $0x1;
	s6 =	sadd.s32 s21, s4  }
0xa3: {  	[timem:s8], [sflag:s22] =	dma.local [hbm:s6], s20  }
0xa4: {  	_ =	swait.ge [sflag:s22], s20  }
0xa5: {  	s5 =	ssub.s32 $0x0, s20;
	[sflag:s22] =	ssyncset.done $0x0  }
0xa6: {  	[sflag:s22] =	ssyncadd.s32 s5;
	_ =	sdelay $0x1  }
0xa7: {  	s23 =	simm.s32 $0x1B8B  }
0xa8: {  	_ =	swait.ge [sflag:s23], $0x1  }
0xa9: {  	[sflag:s23] =	ssyncset.done $0x0  }
0xaa: {  	s25 =	simm.s32 $0x1B8E;
	s24 =	sld [smem:$0x3FFE];
	[sflag:s23] =	ssyncadd.s32 $0xFFFFFFFF  }
0xab: {  	s26 =	simm.s32 $execute0_lowered;
	[smem:$0x3FD2] =	sst s25  }
0xac: {  	s6 =	sshll.u32 s26, $0x1;
	_ =	strace $0x80000046;
	[dreg:$0x1] =	wrdreg $0xFFFFFFFF  }
0xad: {  	s28 =	simm.s32 $_size_execute0_lowered;
	s4 =	sadd.s32 s4, s6;
	[dreg:$0x0] =	wrdreg $0x0  }
0xae: {  	s6 =	sshll.u32 s28, $0x1;
	[dreg:$0x2] =	wrdreg s4  }
0xaf: {  	[dreg:$0x3] =	wrdreg s6  }
0xb0: {  	[dreg:$0x4] =	wrdreg $0xC0  }
0xb1: {  	_ =	task [dreg:s8], $0x5FFFF  }
0xb2: {  	[dreg:$0x1] =	wrdreg $0xFFFFFFFF  }
0xb3: {  	[dreg:$0x0] =	wrdreg $0x60  }
0xb4: {  	[dreg:$0x2] =	wrdreg s15  }
0xb5: {  	[dreg:$0x3] =	wrdreg s24  }
0xb6: {  	[dreg:$0x4] =	wrdreg s16  }
0xb7: {  	[dreg:$0x5] =	wrdreg $0x9  }
0xb8: {  	_ =	task.clear_ibuf [dreg:s8], $0x6FFFF;
	_ =	strace $0x90000046  }
0xb9: {  	s29 =	simm.s32 $0x9;
	_ =	strace $0x80000048  }
0xba: {  	_ =	swait.ge [sflag:s29], $0x1  }
0xbb: {  	[sflag:s29] =	ssyncadd.s32 $0xFFFFFFFF  }
0xbc: {  	_ =	strace $0x90000048  }
0xbd: {  	_ =	sfence  }
0xbe: {  	s30 =	sld [smem:$0x0];
	_ =	sdelay $0x2  }
0xbf: {  	s31 =	sshll.u32 s1, $0xD;
	s1 =	sshrl.u32 s1, $0x2  }
0xc0: {  	s3 =	sand.u32 $0x4000, s31;
	s1 =	sadd.s32 s1, s30  }
0xc1: {  	s0 =	sor.u32 s3, s0;
	s1 =	sshll.u32 s1, $0x11  }
0xc2: {  	s0 =	sor.u32 s1, s0  }
0xc3: {  	s0 =	sadd.s32 $0x8F2B, s0  }
0xc4: {  	[sflag:s0] =	ssyncadd.remote.s32 $0x1  }
0xc5: {  	_ =	sfence.sel $0xFFFF  }
0xc6: {  	[dreg:$0x0] =	wrdreg $0xFFFFFFFF;
	(pc) =	sbr.abs _section_cstart, $3  }
0xc7: {  	[dreg:$0x1] =	wrdreg $0xFFFFFFFF  }
0xc8: {  	_ =	task.clear_ibuf [dreg:s8], $0x2FFFF;
	_ =	strace $0x9FFFFFFF  }
0xc9: {  	(tm) =	ssettm $0x7FFFFFFF  }
tec
execute0_lowered:
.L_overlay_start_1:
0x0: {  	(tag) =	ssettag $0x1  }
0x1: {  	s1 =	rddreg [dreg:$0x0]  }
0x2: {  	s0 =	srdreg.scid;
	s2 =	rddreg [dreg:$0x1]  }
0x3: {  	s3 =	stileid.u32;
	s6 =	rddreg [dreg:$0x2]  }
0x4: {  	s8 =	simm.s32 $0x2;
	s9 =	simm.s32 $0x80;
	s17 =	simm.s32 $0x3080  }
0x5: {  	s18 =	simm.s32 $0x3880;
	s19 =	simm.s32 $0x3C80;
	s20 =	simm.s32 $0x4480  }
0x6: {  	s21 =	simm.s32 $0x4880;
	s22 =	simm.s32 $0x5080;
	s23 =	simm.s32 $0x5480  }
0x7: {  	s24 =	simm.s32 $0x5C80;
	s25 =	simm.s32 $0x6080;
	s28 =	simm.s32 $0x6C80  }
0x8: {  	s29 =	simm.s32 $0x7480;
	s30 =	simm.s32 $0x7880;
	s31 =	simm.s32 $0x8080  }
0x9: {  	s10 =	simm.s32 $0x1;
	s0 =	sand.u32 $0x1, s0;
	s3 =	sshll.u32 s3, $0x1  }
0xa: {  	s11 =	simm.s32 $0x0;
	s4 =	sor.u32 s0, s3;
	s3 =	simm.s32 $0x0  }
0xb: {  	s0 =	ssub.s32 $0x2, s0;
	s5 =	smul.u32 $0xC, s4;
	[smem:$0x7FF] =	sst s3  }
0xc: {  	v2 =	vlaneseq.u32;
	s26 =	sshrl.u32 s0, $0x1;
	s7 =	smul.u32 $0x1200, s4;
	_ =	strace $0x80000047  }
0xd: {  	vm0 =	vmmov $0xffff;
	v3 =	vmul.u32 $0xFFFFFFFF, v2;
	s0 =	ssub.s32 s0, s26;
	s26 =	simm.s32 $0x6880;
	s2 =	sadd.s32 s5, s2  }
0xe: {  	vm1 =	vmmov $0xff;
	v1 =	vshrl.u32 v2, $0x3;
	v0 =	vand.u32 $0x7, v2;
	s5 =	sadd.s32 $0x100, s1;
	s6 =	sadd.s32 s6, s7;
	s7 =	smax.u32 s0, $0x1  }
0xf: {  	v2 =	vor.u32 $0x8, v2;
	v1 =	vmul.u32 $0x8, v1;
	v3 =	vadd.s32 $0xF, v3;
	s0 =	simm.s32 $0x8C80;
	s4 =	sadd.s32 $0x1600, s2;
	s2 =	simm.s32 $0x8480  }
.LBB2_1:
0x10: {  	[tilespmem:s3], [sflag:$0x2] =	stream.linear.gather [hbm4b:s4+s3], $0x60, $0x38;
	[tilespmem:$0x9080] =	vst v63  }
0x11: {  	_ =	swait.ge [sflag:s8], $0x60  }
0x12: {  	[sflag:s8] =	ssyncset.done $0x0  }
0x13: {  	[sflag:s8] =	ssyncadd.s32 $0xFFFFFFA0  }
0x14: {  	v4 =	vld [tilespmem:$0x0];
	_ =	sdelay $0x4  }
0x15: {  	v5 =	vshrl.u32 v4, $0x3  }
0x16: {  	v5 =	vmul.u32 $0x18, v5  }
0x17: {  	v4 =	vand.u32 $0x7, v4  }
0x18: {  	v4 =	vor.u32 v4, v5  }
0x19: {  	v5 =	vperm.xlane v4, v0;
	_ =	sdelay $0x1  }
0x1a: {  	v5 =	vadd.s32 v1, v5;
	_ =	sdelay $0x1  }
0x1b: {  	v4 =	vperm.xlane v4, v2;
	_ =	sdelay $0x1  }
0x1c: {  	v4 =	vadd.s32 v1, v4  }
0x1d: {  	[tilespmem:s9], [sflag:$0x1] =	stream.indirect_vreg.gather [hbm4b:s1+s3], $0x80, v5, vm0, $0xb8;
	[tilespmem:$0x9080] =	vst v63  }
0x1e: {  	s12 =	simm.s32 $0x880  }
0x1f: {  	[tilespmem:s12], [sflag:$0x1] =	stream.indirect_vreg.gather [hbm4b:s5+s3], $0x80, v5, vm1, $0xb8;
	[tilespmem:$0x9080] =	vst v63  }
0x20: {  	s13 =	simm.s32 $0xC80  }
0x21: {  	[tilespmem:s13], [sflag:$0x1] =	stream.indirect_vreg.gather [hbm4b:s1+s3], $0x80, v4, vm0, $0xb8;
	[tilespmem:$0x9080] =	vst v63  }
0x22: {  	s14 =	simm.s32 $0x1480  }
0x23: {  	[tilespmem:s14], [sflag:$0x1] =	stream.indirect_vreg.gather [hbm4b:s5+s3], $0x80, v4, vm1, $0xb8;
	[tilespmem:$0x9080] =	vst v63  }
0x24: {  	v4 =	vld [tilespmem:$0x10];
	_ =	sdelay $0x4  }
0x25: {  	v5 =	vshrl.u32 v4, $0x3  }
0x26: {  	v5 =	vmul.u32 $0x18, v5  }
0x27: {  	v4 =	vand.u32 $0x7, v4  }
0x28: {  	v4 =	vor.u32 v4, v5  }
0x29: {  	v5 =	vperm.xlane v4, v0;
	_ =	sdelay $0x1  }
0x2a: {  	v5 =	vadd.s32 v1, v5;
	_ =	sdelay $0x1  }
0x2b: {  	v4 =	vperm.xlane v4, v2;
	_ =	sdelay $0x1  }
0x2c: {  	s15 =	simm.s32 $0x1880;
	v4 =	vadd.s32 v1, v4  }
0x2d: {  	[tilespmem:s15], [sflag:$0x1] =	stream.indirect_vreg.gather [hbm4b:s1+s3], $0x80, v5, vm0, $0xb8;
	[tilespmem:$0x9080] =	vst v63  }
0x2e: {  	s16 =	simm.s32 $0x2080  }
0x2f: {  	[tilespmem:s16], [sflag:$0x1] =	stream.indirect_vreg.gather [hbm4b:s5+s3], $0x80, v5, vm1, $0xb8;
	[tilespmem:$0x9080] =	vst v63  }
0x30: {  	s13 =	simm.s32 $0x2480  }
0x31: {  	[tilespmem:s13], [sflag:$0x1] =	stream.indirect_vreg.gather [hbm4b:s1+s3], $0x80, v4, vm0, $0xb8;
	[tilespmem:$0x9080] =	vst v63  }
0x32: {  	s14 =	simm.s32 $0x2C80  }
0x33: {  	[tilespmem:s14], [sflag:$0x1] =	stream.indirect_vreg.gather [hbm4b:s5+s3], $0x80, v4, vm1, $0xb8;
	[tilespmem:$0x9080] =	vst v63  }
0x34: {  	v4 =	vld [tilespmem:$0x20];
	_ =	sdelay $0x4  }
0x35: {  	v5 =	vshrl.u32 v4, $0x3  }
0x36: {  	v5 =	vmul.u32 $0x18, v5  }
0x37: {  	v4 =	vand.u32 $0x7, v4  }
0x38: {  	v4 =	vor.u32 v4, v5  }
0x39: {  	v5 =	vperm.xlane v4, v0;
	_ =	sdelay $0x1  }
0x3a: {  	v5 =	vadd.s32 v1, v5;
	_ =	sdelay $0x1  }
0x3b: {  	v4 =	vperm.xlane v4, v2;
	_ =	sdelay $0x1  }
0x3c: {  	v4 =	vadd.s32 v1, v4  }
0x3d: {  	[tilespmem:s17], [sflag:$0x1] =	stream.indirect_vreg.gather [hbm4b:s1+s3], $0x80, v5, vm0, $0xb8;
	[tilespmem:$0x9080] =	vst v63  }
0x3e: {  	_ = 	snop  }
0x3f: {  	[tilespmem:s18], [sflag:$0x1] =	stream.indirect_vreg.gather [hbm4b:s5+s3], $0x80, v5, vm1, $0xb8;
	[tilespmem:$0x9080] =	vst v63  }
0x40: {  	_ = 	snop  }
0x41: {  	[tilespmem:s19], [sflag:$0x1] =	stream.indirect_vreg.gather [hbm4b:s1+s3], $0x80, v4, vm0, $0xb8;
	[tilespmem:$0x9080] =	vst v63  }
0x42: {  	_ = 	snop  }
0x43: {  	[tilespmem:s20], [sflag:$0x1] =	stream.indirect_vreg.gather [hbm4b:s5+s3], $0x80, v4, vm1, $0xb8;
	[tilespmem:$0x9080] =	vst v63  }
0x44: {  	v4 =	vld [tilespmem:$0x30];
	_ =	sdelay $0x4  }
0x45: {  	v5 =	vshrl.u32 v4, $0x3  }
0x46: {  	v5 =	vmul.u32 $0x18, v5  }
0x47: {  	v4 =	vand.u32 $0x7, v4  }
0x48: {  	v4 =	vor.u32 v4, v5  }
0x49: {  	v5 =	vperm.xlane v4, v0;
	_ =	sdelay $0x1  }
0x4a: {  	v5 =	vadd.s32 v1, v5;
	_ =	sdelay $0x1  }
0x4b: {  	v4 =	vperm.xlane v4, v2;
	_ =	sdelay $0x1  }
0x4c: {  	v4 =	vadd.s32 v1, v4  }
0x4d: {  	[tilespmem:s21], [sflag:$0x1] =	stream.indirect_vreg.gather [hbm4b:s1+s3], $0x80, v5, vm0, $0xb8;
	[tilespmem:$0x9080] =	vst v63  }
0x4e: {  	_ = 	snop  }
0x4f: {  	[tilespmem:s22], [sflag:$0x1] =	stream.indirect_vreg.gather [hbm4b:s5+s3], $0x80, v5, vm1, $0xb8;
	[tilespmem:$0x9080] =	vst v63  }
0x50: {  	_ = 	snop  }
0x51: {  	[tilespmem:s23], [sflag:$0x1] =	stream.indirect_vreg.gather [hbm4b:s1+s3], $0x80, v4, vm0, $0xb8;
	[tilespmem:$0x9080] =	vst v63  }
0x52: {  	_ = 	snop  }
0x53: {  	[tilespmem:s24], [sflag:$0x1] =	stream.indirect_vreg.gather [hbm4b:s5+s3], $0x80, v4, vm1, $0xb8;
	[tilespmem:$0x9080] =	vst v63  }
0x54: {  	v4 =	vld [tilespmem:$0x40];
	_ =	sdelay $0x4  }
0x55: {  	v5 =	vshrl.u32 v4, $0x3  }
0x56: {  	v5 =	vmul.u32 $0x18, v5  }
0x57: {  	v4 =	vand.u32 $0x7, v4  }
0x58: {  	v4 =	vor.u32 v4, v5  }
0x59: {  	v5 =	vperm.xlane v4, v0;
	_ =	sdelay $0x1  }
0x5a: {  	v5 =	vadd.s32 v1, v5;
	_ =	sdelay $0x1  }
0x5b: {  	v4 =	vperm.xlane v4, v2;
	_ =	sdelay $0x1  }
0x5c: {  	v4 =	vadd.s32 v1, v4  }
0x5d: {  	[tilespmem:s25], [sflag:$0x1] =	stream.indirect_vreg.gather [hbm4b:s1+s3], $0x80, v5, vm0, $0xb8;
	[tilespmem:$0x9080] =	vst v63  }
0x5e: {  	_ = 	snop  }
0x5f: {  	[tilespmem:s26], [sflag:$0x1] =	stream.indirect_vreg.gather [hbm4b:s5+s3], $0x80, v5, vm1, $0xb8;
	[tilespmem:$0x9080] =	vst v63  }
0x60: {  	_ = 	snop  }
0x61: {  	[tilespmem:s28], [sflag:$0x1] =	stream.indirect_vreg.gather [hbm4b:s1+s3], $0x80, v4, vm0, $0xb8;
	[tilespmem:$0x9080] =	vst v63  }
0x62: {  	_ = 	snop  }
0x63: {  	[tilespmem:s29], [sflag:$0x1] =	stream.indirect_vreg.gather [hbm4b:s5+s3], $0x80, v4, vm1, $0xb8;
	[tilespmem:$0x9080] =	vst v63  }
0x64: {  	v4 =	vld [tilespmem:$0x50];
	_ =	sdelay $0x4  }
0x65: {  	v5 =	vshrl.u32 v4, $0x3  }
0x66: {  	v5 =	vmul.u32 $0x18, v5  }
0x67: {  	v4 =	vand.u32 $0x7, v4  }
0x68: {  	v4 =	vor.u32 v4, v5  }
0x69: {  	v5 =	vperm.xlane v4, v0;
	_ =	sdelay $0x1  }
0x6a: {  	v5 =	vadd.s32 v1, v5;
	_ =	sdelay $0x1  }
0x6b: {  	v4 =	vperm.xlane v4, v2;
	_ =	sdelay $0x1  }
0x6c: {  	v4 =	vadd.s32 v1, v4  }
0x6d: {  	[tilespmem:s30], [sflag:$0x1] =	stream.indirect_vreg.gather [hbm4b:s1+s3], $0x80, v5, vm0, $0xb8;
	[tilespmem:$0x9080] =	vst v63  }
0x6e: {  	_ = 	snop  }
0x6f: {  	[tilespmem:s31], [sflag:$0x1] =	stream.indirect_vreg.gather [hbm4b:s5+s3], $0x80, v5, vm1, $0xb8;
	[tilespmem:$0x9080] =	vst v63  }
0x70: {  	s15 =	simm.s32 $0x0  }
0x71: {  	[tilespmem:s2], [sflag:$0x1] =	stream.indirect_vreg.gather [hbm4b:s1+s3], $0x80, v4, vm0, $0xb8;
	[tilespmem:$0x9080] =	vst v63  }
0x72: {  	s12 =	smul.u32 $0x3000, s15  }
0x73: {  	[tilespmem:s0], [sflag:$0x1] =	stream.indirect_vreg.gather [hbm4b:s5+s3], $0x80, v4, vm1, $0xb8;
	[tilespmem:$0x9080] =	vst v63  }
0x74: {  	_ =	swait.ge [sflag:s10], $0x9000  }
0x75: {  	s12 =	sshra.s32 s12, $0x2;
	s13 =	sand.u32 $0x380, s3;
	[sflag:s10] =	ssyncset.done $0x0  }
0x76: {  	s12 =	sor.u32 s13, s12;
	[sflag:s10] =	ssyncadd.s32 $0xFFFF7000  }
0x77: {  	v23 =	vld [tilespmem:s12+$0x90]  }
0x78: {  	v24 =	vld [tilespmem:s12+$0x80];
	_ =	sdelay $0x1  }
0x79: {  	v4 =	vld [tilespmem:s12+$0xA0];
	_ =	sdelay $0x1  }
0x7a: {  	v5 =	vld [tilespmem:s12+$0xB0]  }
0x7b: {  	v7 =	vmul.f32 v24, v24;
	v8 =	vmul.f32 v23, v23  }
0x7c: {  	v6 =	vld [tilespmem:s12+$0xC0]  }
0x7d: {  	v9 =	vmul.f32 v4, v4;
	v8 =	vadd.f32 v8, v7  }
0x7e: {  	v7 =	vld [tilespmem:s12+$0xD0]  }
0x7f: {  	v10 =	vmul.f32 v5, v5;
	v9 =	vadd.f32 v9, v8  }
0x80: {  	v8 =	vld [tilespmem:s12+$0xE0]  }
0x81: {  	v11 =	vmul.f32 v6, v6;
	v10 =	vadd.f32 v10, v9  }
0x82: {  	v9 =	vld [tilespmem:s12+$0xF0]  }
0x83: {  	v10 =	vadd.f32 v11, v10;
	v11 =	vmul.f32 v7, v7  }
0x84: {  	v12 =	vld [tilespmem:s12+$0x480]  }
0x85: {  	v10 =	vadd.f32 v11, v10;
	v11 =	vmul.f32 v8, v8  }
0x86: {  	v13 =	vld [tilespmem:s12+$0x490]  }
0x87: {  	v10 =	vadd.f32 v11, v10;
	v11 =	vmul.f32 v9, v9  }
0x88: {  	v14 =	vld [tilespmem:s12+$0x4A0]  }
0x89: {  	v12 =	vmul.f32 v12, v12;
	v11 =	vadd.f32 v11, v10  }
0x8a: {  	v10 =	vld [tilespmem:s12+$0x4B0]  }
0x8b: {  	v13 =	vmul.f32 v13, v13;
	v12 =	vadd.f32 v12, v11  }
0x8c: {  	v11 =	vld [tilespmem:s12+$0x4C0]  }
0x8d: {  	v14 =	vmul.f32 v14, v14;
	v13 =	vadd.f32 v13, v12  }
0x8e: {  	v12 =	vld [tilespmem:s12+$0x4D0]  }
0x8f: {  	v15 =	vmul.f32 v10, v10;
	v14 =	vadd.f32 v14, v13  }
0x90: {  	v13 =	vld [tilespmem:s12+$0x4E0]  }
0x91: {  	v16 =	vmul.f32 v11, v11;
	v15 =	vadd.f32 v15, v14  }
0x92: {  	v14 =	vld [tilespmem:s12+$0x4F0]  }
0x93: {  	v17 =	vmul.f32 v12, v12;
	v16 =	vadd.f32 v16, v15  }
0x94: {  	v15 =	vld [tilespmem:s12+$0x880]  }
0x95: {  	v18 =	vmul.f32 v13, v13;
	v17 =	vadd.f32 v17, v16  }
0x96: {  	v16 =	vld [tilespmem:s12+$0x890]  }
0x97: {  	v19 =	vmul.f32 v14, v14;
	v17 =	vadd.f32 v18, v17  }
0x98: {  	v18 =	vld [tilespmem:s12+$0x8A0]  }
0x99: {  	v17 =	vadd.f32 v19, v17;
	v19 =	vmul.f32 v15, v15  }
0x9a: {  	v22 =	vld [tilespmem:s12+$0x8B0]  }
0x9b: {  	v20 =	vmul.f32 v16, v16;
	v19 =	vadd.f32 v19, v17  }
0x9c: {  	v17 =	vld [tilespmem:s12+$0x8C0]  }
0x9d: {  	v21 =	vmul.f32 v18, v18;
	v20 =	vadd.f32 v20, v19  }
0x9e: {  	v19 =	vld [tilespmem:s12+$0x8D0]  }
0x9f: {  	v25 =	vmul.f32 v22, v22;
	v20 =	vadd.f32 v21, v20  }
0xa0: {  	v21 =	vld [tilespmem:s12+$0x8E0]  }
0xa1: {  	v26 =	vmul.f32 v17, v17;
	v25 =	vadd.f32 v25, v20  }
0xa2: {  	v20 =	vld [tilespmem:s12+$0x8F0]  }
0xa3: {  	v25 =	vadd.f32 v26, v25;
	v26 =	vmul.f32 v19, v19;
	_ =	sdelay $0x1  }
0xa4: {  	v25 =	vadd.f32 v26, v25;
	v26 =	vmul.f32 v21, v21;
	_ =	sdelay $0x1  }
0xa5: {  	v25 =	vadd.f32 v26, v25;
	v26 =	vmul.f32 v20, v20;
	_ =	sdelay $0x1  }
0xa6: {  	v25 =	vadd.f32 v26, v25;
	_ =	sdelay $0x1  }
0xa7: {  	(xrf2) =	vadd.scan.msk.f32 $0xffff, v25;
	_ =	sdelay $0x9  }
0xa8: {  	v25, _, _ =	vpop (xrf2)  }
0xa9: {  	v25 =	vperm.xlane v25, v3;
	_ =	sdelay $0x1  }
0xaa: {  	(xrf0) =	vmax.scan.msk.f32 $0xffff, v25;
	_ =	sdelay $0x5  }
0xab: {  	v25, _, _ =	vpop (xrf0)  }
0xac: {  	v26 =	vshra.s32 v25, $0x1;
	v25 =	vmul.f32 $5.000000000e-01, v25  }
0xad: {  	v26 =	vsub.s32 $0x5F3759DF, v26  }
0xae: {  	v27 =	vmul.f32 v26, v25;
	_ =	sdelay $0x1  }
0xaf: {  	v27 =	vmul.f32 v26, v27;
	_ =	sdelay $0x1  }
0xb0: {  	v27 =	vsub.f32 $1.500000000e+00, v27;
	_ =	sdelay $0x1  }
0xb1: {  	v26 =	vmul.f32 v26, v27;
	_ =	sdelay $0x1  }
0xb2: {  	v27 =	vmul.f32 v26, v25;
	_ =	sdelay $0x1  }
0xb3: {  	v27 =	vmul.f32 v27, v26;
	_ =	sdelay $0x1  }
0xb4: {  	v27 =	vsub.f32 $1.500000000e+00, v27;
	_ =	sdelay $0x1  }
0xb5: {  	v26 =	vmul.f32 v27, v26;
	_ =	sdelay $0x1  }
0xb6: {  	v25 =	vmul.f32 v26, v25;
	_ =	sdelay $0x1  }
0xb7: {  	v25 =	vmul.f32 v25, v26;
	_ =	sdelay $0x1  }
0xb8: {  	v25 =	vsub.f32 $1.500000000e+00, v25;
	_ =	sdelay $0x1  }
0xb9: {  	v27 =	vld [tilespmem:s12+$0x490];
	v25 =	vmul.f32 v25, v26  }
0xba: {  	s16 =	simm.s32 $0x0;
	v26 =	vld [tilespmem:s12+$0x480]  }
0xbb: {  	s15 =	smul.u32 $0x3000, s16;
	s13 =	simm.s32 $0x2;
	s14 =	simm.s32 $0x0;
	v28 =	vld [tilespmem:s12+$0x4A0];
	v24 =	vmul.f32 v25, v24;
	v23 =	vmul.f32 v25, v23  }
.LBB2_2:
0xbc: {  	p0 =	sne.s32 s13, $0x5F;
	v4 =	vmul.f32 v25, v4;
	v5 =	vmul.f32 v25, v5;
	s14 =	sadd.s32 $0x80, s14  }
0xbd: {  	v6 =	vmul.f32 v25, v6;
	v7 =	vmul.f32 v25, v7;
	s16 =	sand.u32 $0x380, s14;
	s15 =	sshra.s32 s15, $0x2;
	[tilespmem:s12+$0x80] =	vst v24  }
0xbe: {  	v8 =	vmul.f32 v25, v8;
	v9 =	vmul.f32 v25, v9;
	s15 =	sor.u32 s16, s15;
	[tilespmem:s12+$0x90] =	vst v23  }
0xbf: {  	v26 =	vmul.f32 v25, v26;
	v23 =	vld [tilespmem:s15+$0x90];
	[tilespmem:s12+$0xA0] =	vst v4;
	v27 =	vmul.f32 v25, v27  }
0xc0: {  	v10 =	vmul.f32 v25, v10;
	v24 =	vld [tilespmem:s15+$0x80];
	[tilespmem:s12+$0xB0] =	vst v5;
	v28 =	vmul.f32 v25, v28  }
0xc1: {  	v11 =	vmul.f32 v25, v11;
	v12 =	vmul.f32 v12, v25;
	[tilespmem:s12+$0xC0] =	vst v6  }
0xc2: {  	v13 =	vmul.f32 v13, v25;
	v14 =	vmul.f32 v14, v25;
	v4 =	vld [tilespmem:s15+$0xA0];
	[tilespmem:s12+$0xD0] =	vst v7  }
0xc3: {  	v15 =	vmul.f32 v15, v25;
	v16 =	vmul.f32 v16, v25;
	[tilespmem:s12+$0xE0] =	vst v8  }
0xc4: {  	v18 =	vmul.f32 v18, v25;
	v22 =	vmul.f32 v22, v25;
	v5 =	vld [tilespmem:s15+$0xB0];
	[tilespmem:s12+$0xF0] =	vst v9  }
0xc5: {  	v8 =	vmul.f32 v23, v23;
	v7 =	vmul.f32 v24, v24;
	[tilespmem:s12+$0x480] =	vst v26  }
0xc6: {  	v17 =	vmul.f32 v17, v25;
	v19 =	vmul.f32 v19, v25;
	v6 =	vld [tilespmem:s15+$0xC0];
	[tilespmem:s12+$0x490] =	vst v27  }
0xc7: {  	v21 =	vmul.f32 v21, v25;
	v8 =	vadd.f32 v8, v7;
	v9 =	vmul.f32 v4, v4;
	[tilespmem:s12+$0x4A0] =	vst v28  }
0xc8: {  	v20 =	vmul.f32 v20, v25;
	v7 =	vld [tilespmem:s15+$0xD0];
	[tilespmem:s12+$0x4B0] =	vst v10  }
0xc9: {  	v9 =	vadd.f32 v9, v8;
	v10 =	vmul.f32 v5, v5;
	[tilespmem:s12+$0x4C0] =	vst v11  }
0xca: {  	v8 =	vld [tilespmem:s15+$0xE0];
	[tilespmem:s12+$0x4D0] =	vst v12  }
0xcb: {  	v10 =	vadd.f32 v10, v9;
	v11 =	vmul.f32 v6, v6;
	[tilespmem:s12+$0x4E0] =	vst v13  }
0xcc: {  	v9 =	vld [tilespmem:s15+$0xF0];
	[tilespmem:s12+$0x4F0] =	vst v14  }
0xcd: {  	v10 =	vadd.f32 v11, v10;
	v11 =	vmul.f32 v7, v7;
	[tilespmem:s12+$0x880] =	vst v15  }
0xce: {  	v12 =	vld [tilespmem:s15+$0x480];
	[tilespmem:s12+$0x890] =	vst v16  }
0xcf: {  	v10 =	vadd.f32 v11, v10;
	v11 =	vmul.f32 v8, v8;
	[tilespmem:s12+$0x8A0] =	vst v18  }
0xd0: {  	v13 =	vld [tilespmem:s15+$0x490];
	[tilespmem:s12+$0x8B0] =	vst v22  }
0xd1: {  	v10 =	vadd.f32 v11, v10;
	v11 =	vmul.f32 v9, v9;
	[tilespmem:s12+$0x8C0] =	vst v17  }
0xd2: {  	v14 =	vld [tilespmem:s15+$0x4A0];
	[tilespmem:s12+$0x8D0] =	vst v19  }
0xd3: {  	v11 =	vadd.f32 v11, v10;
	v12 =	vmul.f32 v12, v12;
	[tilespmem:s12+$0x8E0] =	vst v21  }
0xd4: {  	v10 =	vld [tilespmem:s15+$0x4B0];
	[tilespmem:s12+$0x8F0] =	vst v20;
	s12 =	smov.u32 s15  }
0xd5: {  	v12 =	vadd.f32 v12, v11;
	v13 =	vmul.f32 v13, v13  }
0xd6: {  	v11 =	vld [tilespmem:s12+$0x4C0]  }
0xd7: {  	v13 =	vadd.f32 v13, v12;
	v14 =	vmul.f32 v14, v14  }
0xd8: {  	v12 =	vld [tilespmem:s12+$0x4D0]  }
0xd9: {  	v14 =	vadd.f32 v14, v13;
	v15 =	vmul.f32 v10, v10  }
0xda: {  	v13 =	vld [tilespmem:s12+$0x4E0]  }
0xdb: {  	v15 =	vadd.f32 v15, v14;
	v16 =	vmul.f32 v11, v11  }
0xdc: {  	v14 =	vld [tilespmem:s12+$0x4F0]  }
0xdd: {  	v16 =	vadd.f32 v16, v15;
	v17 =	vmul.f32 v12, v12  }
0xde: {  	v15 =	vld [tilespmem:s12+$0x880]  }
0xdf: {  	v17 =	vadd.f32 v17, v16;
	v18 =	vmul.f32 v13, v13  }
0xe0: {  	v16 =	vld [tilespmem:s12+$0x890]  }
0xe1: {  	v17 =	vadd.f32 v18, v17;
	v19 =	vmul.f32 v14, v14  }
0xe2: {  	v18 =	vld [tilespmem:s12+$0x8A0]  }
0xe3: {  	v17 =	vadd.f32 v19, v17;
	v19 =	vmul.f32 v15, v15  }
0xe4: {  	v22 =	vld [tilespmem:s12+$0x8B0]  }
0xe5: {  	v19 =	vadd.f32 v19, v17;
	v20 =	vmul.f32 v16, v16  }
0xe6: {  	v17 =	vld [tilespmem:s12+$0x8C0]  }
0xe7: {  	v20 =	vadd.f32 v20, v19;
	v21 =	vmul.f32 v18, v18  }
0xe8: {  	v19 =	vld [tilespmem:s12+$0x8D0]  }
0xe9: {  	v20 =	vadd.f32 v21, v20;
	v25 =	vmul.f32 v22, v22  }
0xea: {  	v21 =	vld [tilespmem:s12+$0x8E0]  }
0xeb: {  	v25 =	vadd.f32 v25, v20;
	v26 =	vmul.f32 v17, v17  }
0xec: {  	v20 =	vld [tilespmem:s12+$0x8F0]  }
0xed: {  	v25 =	vadd.f32 v26, v25;
	v26 =	vmul.f32 v19, v19;
	_ =	sdelay $0x1  }
0xee: {  	v25 =	vadd.f32 v26, v25;
	v26 =	vmul.f32 v21, v21;
	_ =	sdelay $0x1  }
0xef: {  	v25 =	vadd.f32 v26, v25;
	v26 =	vmul.f32 v20, v20;
	_ =	sdelay $0x1  }
0xf0: {  	v25 =	vadd.f32 v26, v25;
	_ =	sdelay $0x1  }
0xf1: {  	(xrf2) =	vadd.scan.msk.f32 $0xffff, v25;
	_ =	sdelay $0x9  }
0xf2: {  	v25, _, _ =	vpop (xrf2)  }
0xf3: {  	v25 =	vperm.xlane v25, v3;
	_ =	sdelay $0x1  }
0xf4: {  	(xrf0) =	vmax.scan.msk.f32 $0xffff, v25;
	_ =	sdelay $0x5  }
0xf5: {  	v25, _, _ =	vpop (xrf0)  }
0xf6: {  	v26 =	vshra.s32 v25, $0x1;
	v25 =	vmul.f32 $5.000000000e-01, v25  }
0xf7: {  	v26 =	vsub.s32 $0x5F3759DF, v26  }
0xf8: {  	v27 =	vmul.f32 v26, v25;
	_ =	sdelay $0x1  }
0xf9: {  	v27 =	vmul.f32 v26, v27;
	_ =	sdelay $0x1  }
0xfa: {  	v27 =	vsub.f32 $1.500000000e+00, v27;
	_ =	sdelay $0x1  }
0xfb: {  	v26 =	vmul.f32 v26, v27;
	_ =	sdelay $0x1  }
0xfc: {  	v27 =	vmul.f32 v26, v25;
	_ =	sdelay $0x1  }
0xfd: {  	v27 =	vmul.f32 v27, v26;
	_ =	sdelay $0x1  }
0xfe: {  	v27 =	vsub.f32 $1.500000000e+00, v27;
	_ =	sdelay $0x1  }
0xff: {  	v26 =	vmul.f32 v27, v26;
	_ =	sdelay $0x1  }
0x100: {  	v25 =	vmul.f32 v26, v25;
	_ =	sdelay $0x1  }
0x101: {  	v25 =	vmul.f32 v25, v26;
	_ =	sdelay $0x1  }
.Ltmp0:
0x102: {  	v25 =	vsub.f32 $1.500000000e+00, v25;
	(pc) =	sbr.rel @p0 .LBB2_2-.Ltmp0, $4  }
0x103: {  	_ = 	snop  }
0x104: {  	v25 =	vmul.f32 v25, v26;
	v26 =	vld [tilespmem:s12+$0x480]  }
0x105: {  	s15 =	sshrl.u32 s13, $0x3;
	v27 =	vld [tilespmem:s12+$0x490]  }
0x106: {  	s13 =	sadd.s32 $0x1, s13;
	s15 =	smul.u32 $0x3000, s15;
	v24 =	vmul.f32 v25, v24;
	v23 =	vmul.f32 v25, v23;
	v28 =	vld [tilespmem:s12+$0x4A0]  }
0x107: {  	s13 =	sadd.s32 $0x80, s14  }
0x108: {  	v31 =	vmul.f32 v25, v4;
	s13 =	sand.u32 $0x380, s13;
	s16 =	sshra.s32 s15, $0x2;
	[tilespmem:s12+$0x80] =	vst v24  }
0x109: {  	v6 =	vmul.f32 v25, v6;
	[tilespmem:s12+$0x90] =	vst v23;
	s13 =	sor.u32 s13, s16  }
0x10a: {  	v32 =	vmul.f32 v25, v5;
	v4 =	vld [tilespmem:s13+$0x90];
	[tilespmem:s12+$0xA0] =	vst v31  }
0x10b: {  	v33 =	vmul.f32 v25, v8;
	[tilespmem:s12+$0xC0] =	vst v6;
	v5 =	vld [tilespmem:s13+$0x80]  }
0x10c: {  	v7 =	vmul.f32 v25, v7;
	[tilespmem:s12+$0xB0] =	vst v32  }
0x10d: {  	v9 =	vmul.f32 v25, v9;
	[tilespmem:s12+$0xE0] =	vst v33;
	v8 =	vld [tilespmem:s13+$0xA0]  }
0x10e: {  	v34 =	vmul.f32 v25, v26;
	[tilespmem:s12+$0xD0] =	vst v7  }
0x10f: {  	[tilespmem:s12+$0xF0] =	vst v9;
	v35 =	vmul.f32 v25, v27;
	v36 =	vmul.f32 v25, v28;
	v6 =	vld [tilespmem:s13+$0xB0]  }
0x110: {  	[tilespmem:s12+$0x480] =	vst v34;
	v42 =	vmul.f32 v4, v4;
	v41 =	vmul.f32 v5, v5  }
0x111: {  	v37 =	vmul.f32 v25, v10;
	v23 =	vld [tilespmem:s13+$0xC0];
	[tilespmem:s12+$0x490] =	vst v35  }
0x112: {  	v38 =	vmul.f32 v25, v11;
	[tilespmem:s12+$0x4A0] =	vst v36;
	v44 =	vmul.f32 v8, v8;
	v7 =	vadd.f32 v42, v41  }
0x113: {  	v39 =	vmul.f32 v12, v25;
	v10 =	vld [tilespmem:s13+$0xD0];
	[tilespmem:s12+$0x4B0] =	vst v37  }
0x114: {  	v40 =	vmul.f32 v13, v25;
	[tilespmem:s12+$0x4C0] =	vst v38;
	v46 =	vmul.f32 v6, v6;
	v7 =	vadd.f32 v44, v7  }
0x115: {  	v13 =	vld [tilespmem:s13+$0xE0];
	[tilespmem:s12+$0x4D0] =	vst v39  }
0x116: {  	v45 =	vmul.f32 v15, v25;
	[tilespmem:s12+$0x4E0] =	vst v40;
	v49 =	vmul.f32 v23, v23;
	v7 =	vadd.f32 v46, v7  }
0x117: {  	v43 =	vmul.f32 v14, v25;
	v47 =	vmul.f32 v16, v25;
	v14 =	vld [tilespmem:s13+$0xF0]  }
0x118: {  	v48 =	vmul.f32 v18, v25;
	[tilespmem:s12+$0x880] =	vst v45;
	v52 =	vmul.f32 v10, v10;
	v7 =	vadd.f32 v49, v7  }
0x119: {  	v51 =	vmul.f32 v22, v25;
	v50 =	vld [tilespmem:s13+$0x480];
	[tilespmem:s12+$0x890] =	vst v47  }
0x11a: {  	v53 =	vmul.f32 v17, v25;
	[tilespmem:s12+$0x8A0] =	vst v48;
	v55 =	vmul.f32 v13, v13;
	v7 =	vadd.f32 v52, v7  }
0x11b: {  	v56 =	vmul.f32 v19, v25;
	v54 =	vld [tilespmem:s13+$0x490];
	[tilespmem:s12+$0x8B0] =	vst v51  }
0x11c: {  	v57 =	vmul.f32 v21, v25;
	[tilespmem:s12+$0x8C0] =	vst v53;
	v58 =	vmul.f32 v14, v14;
	v7 =	vadd.f32 v55, v7  }
0x11d: {  	v59 =	vld [tilespmem:s13+$0x4A0];
	[tilespmem:s12+$0x8D0] =	vst v56  }
0x11e: {  	v60 =	vmul.f32 v20, v25;
	[tilespmem:s12+$0x8E0] =	vst v57;
	v61 =	vmul.f32 v50, v50;
	v7 =	vadd.f32 v58, v7  }
0x11f: {  	[tilespmem:s12+$0x4F0] =	vst v43;
	v11 =	vld [tilespmem:s13+$0x4B0]  }
0x120: {  	[tilespmem:s12+$0x8F0] =	vst v60;
	v62 =	vmul.f32 v54, v54;
	v7 =	vadd.f32 v61, v7  }
0x121: {  	v63 =	vld [tilespmem:s13+$0x4C0]  }
0x122: {  	v30 =	vmul.f32 v59, v59;
	v7 =	vadd.f32 v62, v7  }
0x123: {  	v31 =	vld [tilespmem:s13+$0x4D0]  }
0x124: {  	v32 =	vmul.f32 v11, v11;
	v7 =	vadd.f32 v30, v7  }
0x125: {  	v33 =	vld [tilespmem:s13+$0x4E0]  }
0x126: {  	v34 =	vmul.f32 v63, v63;
	v7 =	vadd.f32 v32, v7  }
0x127: {  	v35 =	vld [tilespmem:s13+$0x4F0]  }
0x128: {  	v36 =	vmul.f32 v31, v31;
	v7 =	vadd.f32 v34, v7  }
0x129: {  	v37 =	vld [tilespmem:s13+$0x880]  }
0x12a: {  	v38 =	vmul.f32 v33, v33;
	v7 =	vadd.f32 v36, v7  }
0x12b: {  	v39 =	vld [tilespmem:s13+$0x890]  }
0x12c: {  	v40 =	vmul.f32 v35, v35;
	v7 =	vadd.f32 v38, v7  }
0x12d: {  	v41 =	vld [tilespmem:s13+$0x8A0]  }
0x12e: {  	v42 =	vmul.f32 v37, v37;
	v7 =	vadd.f32 v40, v7  }
0x12f: {  	v43 =	vld [tilespmem:s13+$0x8B0]  }
0x130: {  	v44 =	vmul.f32 v39, v39;
	v7 =	vadd.f32 v42, v7  }
0x131: {  	v45 =	vld [tilespmem:s13+$0x8C0]  }
0x132: {  	v46 =	vmul.f32 v41, v41;
	v7 =	vadd.f32 v44, v7  }
0x133: {  	v24 =	vld [tilespmem:s13+$0x8D0]  }
0x134: {  	v47 =	vmul.f32 v43, v43;
	v7 =	vadd.f32 v46, v7  }
0x135: {  	v48 =	vld [tilespmem:s13+$0x8E0]  }
0x136: {  	v49 =	vmul.f32 v45, v45;
	v7 =	vadd.f32 v47, v7  }
0x137: {  	v50 =	vld [tilespmem:s13+$0x8F0]  }
0x138: {  	v51 =	vmul.f32 v24, v24;
	v7 =	vadd.f32 v49, v7;
	_ =	sdelay $0x1  }
0x139: {  	v52 =	vmul.f32 v48, v48;
	v7 =	vadd.f32 v51, v7;
	_ =	sdelay $0x1  }
0x13a: {  	v53 =	vmul.f32 v50, v50;
	v7 =	vadd.f32 v52, v7;
	_ =	sdelay $0x1  }
0x13b: {  	v7 =	vadd.f32 v53, v7;
	_ =	sdelay $0x1  }
0x13c: {  	(xrf2) =	vadd.scan.msk.f32 $0xffff, v7;
	_ =	sdelay $0x9  }
0x13d: {  	v7, _, _ =	vpop (xrf2)  }
0x13e: {  	v7 =	vperm.xlane v7, v3;
	_ =	sdelay $0x1  }
0x13f: {  	(xrf0) =	vmax.scan.msk.f32 $0xffff, v7;
	_ =	sdelay $0x5  }
0x140: {  	v7, _, _ =	vpop (xrf0)  }
0x141: {  	v54 =	vshra.s32 v7, $0x1;
	v7 =	vmul.f32 $5.000000000e-01, v7  }
0x142: {  	v9 =	vsub.s32 $0x5F3759DF, v54  }
0x143: {  	v55 =	vmul.f32 v9, v7;
	_ =	sdelay $0x1  }
0x144: {  	v27 =	vmul.f32 v9, v55;
	_ =	sdelay $0x1  }
0x145: {  	v27 =	vsub.f32 $1.500000000e+00, v27;
	_ =	sdelay $0x1  }
0x146: {  	v9 =	vmul.f32 v9, v27;
	_ =	sdelay $0x1  }
0x147: {  	v27 =	vmul.f32 v9, v7;
	_ =	sdelay $0x1  }
0x148: {  	v27 =	vmul.f32 v27, v9;
	_ =	sdelay $0x1  }
0x149: {  	v27 =	vsub.f32 $1.500000000e+00, v27;
	_ =	sdelay $0x1  }
0x14a: {  	v9 =	vmul.f32 v27, v9;
	_ =	sdelay $0x1  }
0x14b: {  	v7 =	vmul.f32 v9, v7;
	_ =	sdelay $0x1  }
0x14c: {  	v7 =	vmul.f32 v7, v9;
	_ =	sdelay $0x1  }
0x14d: {  	v7 =	vsub.f32 $1.500000000e+00, v7;
	_ =	sdelay $0x1  }
0x14e: {  	v7 =	vmul.f32 v7, v9;
	_ =	sdelay $0x1  }
0x14f: {  	v5 =	vmul.f32 v7, v5  }
0x150: {  	v4 =	vmul.f32 v7, v4  }
0x151: {  	v8 =	vmul.f32 v7, v8;
	[tilespmem:s13+$0x80] =	vst v5  }
0x152: {  	v56 =	vld [tilespmem:s13+$0x4A0];
	v6 =	vmul.f32 v7, v6;
	[tilespmem:s13+$0x90] =	vst v4  }
0x153: {  	v9 =	vmul.f32 v7, v23;
	[tilespmem:s13+$0xA0] =	vst v8  }
0x154: {  	v10 =	vmul.f32 v7, v10;
	[tilespmem:s13+$0xB0] =	vst v6  }
0x155: {  	v57 =	vmul.f32 v7, v13;
	[tilespmem:s13+$0xC0] =	vst v9  }
0x156: {  	v58 =	vmul.f32 v7, v14;
	v5 =	vld [tilespmem:s13+$0x480];
	[tilespmem:s13+$0xD0] =	vst v10  }
0x157: {  	v59 =	vmul.f32 v7, v56;
	v4 =	vld [tilespmem:s13+$0x490];
	[tilespmem:s13+$0xE0] =	vst v57  }
0x158: {  	v60 =	vmul.f32 v31, v7;
	[tilespmem:s13+$0xF0] =	vst v58  }
0x159: {  	v61 =	vmul.f32 v37, v7;
	[tilespmem:s13+$0x4A0] =	vst v59  }
0x15a: {  	v62 =	vmul.f32 v43, v7;
	[tilespmem:s13+$0x4D0] =	vst v60  }
0x15b: {  	[tilespmem:s13+$0x880] =	vst v61;
	v5 =	vmul.f32 v7, v5  }
0x15c: {  	[tilespmem:s13+$0x8B0] =	vst v62;
	v4 =	vmul.f32 v7, v4  }
0x15d: {  	[tilespmem:s13+$0x480] =	vst v5;
	v5 =	vmul.f32 v7, v11  }
0x15e: {  	[tilespmem:s13+$0x490] =	vst v4;
	v4 =	vmul.f32 v7, v63  }
0x15f: {  	v63 =	vmul.f32 v48, v7;
	[tilespmem:s13+$0x4B0] =	vst v5  }
0x160: {  	v5 =	vmul.f32 v33, v7;
	[tilespmem:s13+$0x4C0] =	vst v4  }
0x161: {  	v4 =	vmul.f32 v35, v7;
	[tilespmem:s13+$0x8E0] =	vst v63  }
0x162: {  	[tilespmem:s13+$0x4E0] =	vst v5;
	v5 =	vmul.f32 v39, v7  }
0x163: {  	[tilespmem:s13+$0x4F0] =	vst v4;
	v4 =	vmul.f32 v41, v7  }
0x164: {  	[tilespmem:s13+$0x890] =	vst v5;
	v5 =	vmul.f32 v45, v7  }
0x165: {  	[tilespmem:s13+$0x8A0] =	vst v4;
	v4 =	vmul.f32 v24, v7  }
0x166: {  	s11 =	sadd.s32 $0x1, s11;
	[tilespmem:s13+$0x8C0] =	vst v5;
	v5 =	vmul.f32 v50, v7  }
0x167: {  	p0 =	sne.s32 s11, s7;
	[tilespmem:s13+$0x8D0] =	vst v4  }
.Ltmp1:
0x168: {  	[tilespmem:s13+$0x8F0] =	vst v5;
	(pc) =	sbr.rel @p0 .LBB2_1-.Ltmp1, $4  }
0x169: {  	[hbm4b:s6+s3] =	stream.linear.scatter [tilespmem:s9], [sflag:$0x2], $0x9000, $0x38;
	[tilespmem:$0x9080] =	vst v63  }
0x16a: {  	_ =	swait.ge [sflag:s8], $0x9000  }
0x16b: {  	[sflag:s8] =	ssyncset.done $0x0  }
0x16c: {  	[sflag:s8] =	ssyncadd.s32 $0xFFFF7000  }
0x16d: {  	_ =	sfence.sel $0x180000  }
0x16e: {  	[bflag:$0x0] =	sbarrier.arrive $0xFFFF  }
0x16f: {  	_ =	strace $0x90000047  }
0x170: {  	s0 =	stileid.u32;
	[bflag:$0x2] =	sbarrier.arrive $0xFFFF  }
0x171: {  	p0 =	sne.s32 s0, $0x0;
	s0 =	rddreg [dreg:$0x3]  }
0x172: {  	s0 =	sadd.s32 @!p0 $0x100000, s0  }
0x173: {  	[sflag:s0] =	ssyncadd.tile.s32 @!p0 $0x1;
	_ =	shalt  }
.Lfunc_end2:
_tile_overlayer_lowered:
.L_overlay_start_2:
0x174: {  	(tag) =	ssettag $0x2  }
0x175: {  	s0 =	rddreg [dreg:$0x0];
	s2 =	stileid.u32  }
0x176: {  	s1 =	rddreg [dreg:$0x1];
	p0 =	sne.s32 s2, $0x0  }
0x177: {  	s3 =	rddreg [dreg:$0x2];
	[bflag:$0x3] =	sbarrier.arrive $0xFFFF;
	s2 =	simm.s32 @!p0 $0x1C02  }
0x178: {  	[timem:s3], [sflag:s2] =	dma.local @!p0 [hbm:s0], s1  }
0x179: {  	s0 =	simm.s32 @!p0 $0x2  }
0x17a: {  	_ =	swait.ge @!p0 [sflag:s0], s1  }
0x17b: {  	s1 =	ssub.s32 @!p0 $0x0, s1;
	[sflag:s0] =	ssyncset.done @!p0 $0x0  }
0x17c: {  	[sflag:s0] =	ssyncadd.s32 @!p0 s1  }
0x17d: {  	[bflag:$0x3] =	sbarrier.arrive $0xFFFF  }
0x17e: {  	_ =	shalt  }

</sc_bundles>
